<compile_context>
chip_gen: v7x
topology: tpu7x:2x2x1
jax: 0.10.2.dev20260603
libtpu: 0.0.44.dev20260713+nightly
codegen_flags: <defaults>
</compile_context>

<pallas_src>
import functools

import numpy as np
import jax
import jax.numpy as jnp
from jax import lax
from jax.experimental import pallas as pl
from jax.experimental.pallas import tpu as pltpu
from jax.experimental.pallas import tpu_sc as plsc

_NB = 15
_NC = 2
_NS = 16
_L = 16
_NW = _NC * _NS
_NSLOT = 4
_TBL = _NB * _L


@functools.lru_cache(maxsize=None)
def _make_sc_hist(n: int, chunk: int, unroll: int):
    npw = n // _NW
    nch = npw // chunk
    assert npw * _NW == n and nch * chunk == npw

    mesh = plsc.VectorSubcoreMesh(
        core_axis_name="c", subcore_axis_name="s",
        num_cores=_NC, num_subcores=_NS)

    @functools.partial(
        pl.kernel,
        out_type=jax.ShapeDtypeStruct((_NW * _NSLOT * _TBL,), jnp.float32),
        mesh=mesh,
        compiler_params=pltpu.CompilerParams(needs_layout_passes=False),
        scratch_types=[
            pltpu.VMEM((_L,), jnp.float32),
            pltpu.VMEM((_NSLOT * _TBL,), jnp.float32),
            pltpu.VMEM((chunk,), jnp.float32),
            pltpu.VMEM((chunk,), jnp.float32),
            pltpu.VMEM((chunk,), jnp.float32),
            pltpu.VMEM((chunk,), jnp.float32),
            pltpu.SemaphoreType.DMA,
            pltpu.SemaphoreType.DMA,
        ],
    )
    def sc_hist(acc_hbm, conf_hbm, bnd_hbm, out_hbm,
                bnd_v, hist_v, a0, c0, a1, c1, sem0, sem1):
        wid = lax.axis_index("s") * _NC + lax.axis_index("c")
        base = wid * npw

        pltpu.sync_copy(bnd_hbm, bnd_v)
        zeros = jnp.zeros((_L,), jnp.float32)
        for k in range(_NSLOT * _NB):
            hist_v[pl.ds(k * _L, _L)] = zeros
        lane = lax.iota(jnp.int32, _L)
        lanes = [lane + j * _TBL for j in range(_NSLOT)]
        lanes_m16 = [lv - _L for lv in lanes]

        abufs = (a0, a1)
        cbufs = (c0, c1)
        sems = (sem0, sem1)

        def start(g, sl):
            off = base + g * chunk
            ca = pltpu.async_copy(acc_hbm.at[pl.ds(off, chunk)], abufs[sl], sems[sl])
            cc = pltpu.async_copy(conf_hbm.at[pl.ds(off, chunk)], cbufs[sl], sems[sl])
            return ca, cc

        start(0, 0)
        start(1, 1)

        def outer(it, carry):
            g0 = it * 2
            for b in range(2):
                g = g0 + b
                ab = abufs[b]
                cb = cbufs[b]
                pltpu.make_async_copy(acc_hbm.at[pl.ds(0, chunk)], ab, sems[b]).wait()
                pltpu.make_async_copy(conf_hbm.at[pl.ds(0, chunk)], cb, sems[b]).wait()

                @plsc.parallel_loop(0, chunk // _L, step=_NSLOT, unroll=unroll)
                def body(i, ab=ab, cb=cb):
                    for j in range(_NSLOT):
                        o = pl.multiple_of((i + j) * _L, _L)
                        cv = cb[pl.ds(o, _L)]
                        av = ab[pl.ds(o, _L)]
                        d = cv - av
                        ic = plsc.bitcast(cv * 15.0 + 8388608.0,
                                          jnp.int32) - 0x4B000000
                        bv = plsc.load_gather(bnd_v, [ic])
                        off = jnp.where(cv <= bv, lanes_m16[j], lanes[j])
                        flat = ic * _L + off
                        plsc.addupdate_scatter(hist_v, [flat], d,
                                               mask=flat >= j * _TBL)

                @pl.when(g + 2 < nch)
                def _():
                    start(g + 2, b)
            return carry

        lax.fori_loop(0, nch // 2, outer, 0)

        pltpu.sync_copy(hist_v, out_hbm.at[pl.ds(wid * (_NSLOT * _TBL), _NSLOT * _TBL)])

    return sc_hist


@functools.lru_cache(maxsize=None)
def _make_combine(n: int):
    inv_n = np.float32(1.0 / n)

    def ck(p_ref, o_ref):
        x = p_ref[...]
        b = jnp.sum(x, axis=1, keepdims=True)
        o_ref[...] = jnp.broadcast_to(jnp.sum(jnp.abs(b)) * inv_n, (1, 1))

    return pl.pallas_call(
        ck,
        out_shape=jax.ShapeDtypeStruct((1, 1), jnp.float32),
    )


def kernel(accuracies, confidences):
    n = accuracies.shape[0]
    bnd = jnp.asarray(np.linspace(0.0, 1.0, _NB + 1), dtype=jnp.float32)
    parts = _make_sc_hist(n, 16384, 4)(accuracies, confidences, bnd)
    parts2d = (parts.reshape(_NW * _NSLOT, _NB, _L)
               .transpose(1, 0, 2).reshape(_NB, _NW * _NSLOT * _L))
    return _make_combine(n)(parts2d)[0, 0]

# --- scband reference (transcript-rebuilt; emitter-appended) ---
"""Pipeline reference for scband-ece-58841051955662 (READ-ONLY COPY).

The authoritative reference and input builder live on the scoring server;
editing this copy changes nothing except your own understanding.
"""

import jax, jax.numpy as jnp
import numpy as np

N_BINS = 15


def setup_inputs(seed: int = 0) -> dict:
    key = jax.random.key(seed)
    k1, k2 = jax.random.split(key)
    N = 16777216
    accuracies = jax.random.uniform(k1, (N,), dtype=jnp.float32)
    confidences = jax.random.uniform(k2, (N,), dtype=jnp.float32)
    return {"accuracies": accuracies, "confidences": confidences}


def reference(accuracies, confidences):
    bin_boundaries = np.linspace(0.0, 1.0, N_BINS + 1)
    bin_lowers = bin_boundaries[:-1]
    bin_uppers = bin_boundaries[1:]
    ece = jnp.asarray(0.0, dtype=jnp.float32)
    for bin_lower, bin_upper in zip(bin_lowers, bin_uppers):
        in_bin = jnp.logical_and(confidences > bin_lower, confidences <= bin_upper)
        inb = in_bin.astype(jnp.float32)
        prop_in_bin = jnp.mean(inb)
        cnt = jnp.sum(inb)
        safe_cnt = jnp.maximum(cnt, 1.0)
        accuracy_in_bin = jnp.sum(accuracies * inb) / safe_cnt
        avg_confidence_in_bin = jnp.sum(confidences * inb) / safe_cnt
        contrib = jnp.abs(avg_confidence_in_bin - accuracy_in_bin) * prop_in_bin
        ece = ece + jnp.where(prop_in_bin > 0, contrib, jnp.asarray(0.0, dtype=jnp.float32))
    return ece

if __name__ == "__main__":
    import jax
    _d = setup_inputs()
    print(jax.jit(kernel)(*tuple(_d.values())))

</pallas_src>

<mosaic_0001>
#map = affine_map<(d0, d1) -> (0)>
module attributes {stable_mosaic.version = 14 : i64} {
  func.func @sc_hist(%arg0: i32, %arg1: i32, %arg2: memref<16777216xf32, #tpu.memory_space<hbm>>, %arg3: memref<16777216xf32, #tpu.memory_space<hbm>>, %arg4: memref<16xf32, #tpu.memory_space<hbm>>, %arg5: memref<30720xf32, #tpu.memory_space<hbm>>, %arg6: memref<16xf32, #tpu.memory_space<vmem>>, %arg7: memref<960xf32, #tpu.memory_space<vmem>>, %arg8: memref<16384xf32, #tpu.memory_space<vmem>>, %arg9: memref<16384xf32, #tpu.memory_space<vmem>>, %arg10: memref<16384xf32, #tpu.memory_space<vmem>>, %arg11: memref<16384xf32, #tpu.memory_space<vmem>>, %arg12: memref<!tpu.dma_semaphore, #tpu.memory_space<semaphore_mem>>, %arg13: memref<!tpu.dma_semaphore, #tpu.memory_space<semaphore_mem>>) attributes {dimension_semantics = [#tpu.dimension_semantics<core_parallel>, #tpu.dimension_semantics<subcore_parallel>], iteration_bounds = array<i64: 2, 16>, scalar_prefetch = 0 : i64, scratch_operands = 8 : i64, tpu.core_type = #tpu.core_type<sc_vector_subcore>, window_params = [{transform_indices = #map}, {transform_indices = #map}, {transform_indices = #map}, {transform_indices = #map}]} {
    %mul3A = arith.constant 2 : i32
    %mul3A_0 = arith.muli %arg1, %mul3A : i32
    %add3A = arith.addi %mul3A_0, %arg0 : i32
    %mul3A_1 = arith.constant 524288 : i32
    %mul3A_2 = arith.muli %add3A, %mul3A_1 : i32
    "tpu.region"() ({
      %run_scoped3A = tpu.sem_alloc : memref<!tpu.dma_semaphore, #tpu.memory_space<semaphore_mem>>
      tpu.enqueue_dma source(%arg4 : memref<16xf32, #tpu.memory_space<hbm>>) target(%arg6 : memref<16xf32, #tpu.memory_space<vmem>>) target_semaphore(%run_scoped3A : memref<!tpu.dma_semaphore, #tpu.memory_space<semaphore_mem>>)
      tpu.wait_dma2 semaphore(%run_scoped3A : memref<!tpu.dma_semaphore, #tpu.memory_space<semaphore_mem>>) src(%arg4 : memref<16xf32, #tpu.memory_space<hbm>>) dst(%arg6 : memref<16xf32, #tpu.memory_space<vmem>>)
      tpu.yield
    }) : () -> ()
    %broadcast_in_dim3A = arith.constant 0.000000e+00 : f32
    %broadcast_in_dim3A_3 = vector.broadcast %broadcast_in_dim3A : f32 to vector<16xf32>
    %swap3A = arith.constant 0 : index
    %swap3A_4 = tpu.vector_load %arg7[%swap3A] {strides = array<i32>} : memref<960xf32, #tpu.memory_space<vmem>>, vector<16xf32>,
    tpu.vector_store %arg7[%swap3A], %broadcast_in_dim3A_3 {strides = array<i32>} : memref<960xf32, #tpu.memory_space<vmem>>, vector<16xf32>,
    %swap3A_5 = arith.constant 16 : index
    %swap3A_6 = tpu.vector_load %arg7[%swap3A_5] {strides = array<i32>} : memref<960xf32, #tpu.memory_space<vmem>>, vector<16xf32>,
    tpu.vector_store %arg7[%swap3A_5], %broadcast_in_dim3A_3 {strides = array<i32>} : memref<960xf32, #tpu.memory_space<vmem>>, vector<16xf32>,
    %swap3A_7 = arith.constant 32 : index
    %swap3A_8 = tpu.vector_load %arg7[%swap3A_7] {strides = array<i32>} : memref<960xf32, #tpu.memory_space<vmem>>, vector<16xf32>,
    tpu.vector_store %arg7[%swap3A_7], %broadcast_in_dim3A_3 {strides = array<i32>} : memref<960xf32, #tpu.memory_space<vmem>>, vector<16xf32>,
    %swap3A_9 = arith.constant 48 : index
    %swap3A_10 = tpu.vector_load %arg7[%swap3A_9] {strides = array<i32>} : memref<960xf32, #tpu.memory_space<vmem>>, vector<16xf32>,
    tpu.vector_store %arg7[%swap3A_9], %broadcast_in_dim3A_3 {strides = array<i32>} : memref<960xf32, #tpu.memory_space<vmem>>, vector<16xf32>,
    %swap3A_11 = arith.constant 64 : index
    %swap3A_12 = tpu.vector_load %arg7[%swap3A_11] {strides = array<i32>} : memref<960xf32, #tpu.memory_space<vmem>>, vector<16xf32>,
    tpu.vector_store %arg7[%swap3A_11], %broadcast_in_dim3A_3 {strides = array<i32>} : memref<960xf32, #tpu.memory_space<vmem>>, vector<16xf32>,
    %swap3A_13 = arith.constant 80 : index
    %swap3A_14 = tpu.vector_load %arg7[%swap3A_13] {strides = array<i32>} : memref<960xf32, #tpu.memory_space<vmem>>, vector<16xf32>,
    tpu.vector_store %arg7[%swap3A_13], %broadcast_in_dim3A_3 {strides = array<i32>} : memref<960xf32, #tpu.memory_space<vmem>>, vector<16xf32>,
    %swap3A_15 = arith.constant 96 : index
    %swap3A_16 = tpu.vector_load %arg7[%swap3A_15] {strides = array<i32>} : memref<960xf32, #tpu.memory_space<vmem>>, vector<16xf32>,
    tpu.vector_store %arg7[%swap3A_15], %broadcast_in_dim3A_3 {strides = array<i32>} : memref<960xf32, #tpu.memory_space<vmem>>, vector<16xf32>,
    %swap3A_17 = arith.constant 112 : index
    %swap3A_18 = tpu.vector_load %arg7[%swap3A_17] {strides = array<i32>} : memref<960xf32, #tpu.memory_space<vmem>>, vector<16xf32>,
    tpu.vector_store %arg7[%swap3A_17], %broadcast_in_dim3A_3 {strides = array<i32>} : memref<960xf32, #tpu.memory_space<vmem>>, vector<16xf32>,
    %swap3A_19 = arith.constant 128 : index
    %swap3A_20 = tpu.vector_load %arg7[%swap3A_19] {strides = array<i32>} : memref<960xf32, #tpu.memory_space<vmem>>, vector<16xf32>,
    tpu.vector_store %arg7[%swap3A_19], %broadcast_in_dim3A_3 {strides = array<i32>} : memref<960xf32, #tpu.memory_space<vmem>>, vector<16xf32>,
    %swap3A_21 = arith.constant 144 : index
    %swap3A_22 = tpu.vector_load %arg7[%swap3A_21] {strides = array<i32>} : memref<960xf32, #tpu.memory_space<vmem>>, vector<16xf32>,
    tpu.vector_store %arg7[%swap3A_21], %broadcast_in_dim3A_3 {strides = array<i32>} : memref<960xf32, #tpu.memory_space<vmem>>, vector<16xf32>,
    %swap3A_23 = arith.constant 160 : index
    %swap3A_24 = tpu.vector_load %arg7[%swap3A_23] {strides = array<i32>} : memref<960xf32, #tpu.memory_space<vmem>>, vector<16xf32>,
    tpu.vector_store %arg7[%swap3A_23], %broadcast_in_dim3A_3 {strides = array<i32>} : memref<960xf32, #tpu.memory_space<vmem>>, vector<16xf32>,
    %swap3A_25 = arith.constant 176 : index
    %swap3A_26 = tpu.vector_load %arg7[%swap3A_25] {strides = array<i32>} : memref<960xf32, #tpu.memory_space<vmem>>, vector<16xf32>,
    tpu.vector_store %arg7[%swap3A_25], %broadcast_in_dim3A_3 {strides = array<i32>} : memref<960xf32, #tpu.memory_space<vmem>>, vector<16xf32>,
    %swap3A_27 = arith.constant 192 : index
    %swap3A_28 = tpu.vector_load %arg7[%swap3A_27] {strides = array<i32>} : memref<960xf32, #tpu.memory_space<vmem>>, vector<16xf32>,
    tpu.vector_store %arg7[%swap3A_27], %broadcast_in_dim3A_3 {strides = array<i32>} : memref<960xf32, #tpu.memory_space<vmem>>, vector<16xf32>,
    %swap3A_29 = arith.constant 208 : index
    %swap3A_30 = tpu.vector_load %arg7[%swap3A_29] {strides = array<i32>} : memref<960xf32, #tpu.memory_space<vmem>>, vector<16xf32>,
    tpu.vector_store %arg7[%swap3A_29], %broadcast_in_dim3A_3 {strides = array<i32>} : memref<960xf32, #tpu.memory_space<vmem>>, vector<16xf32>,
    %swap3A_31 = arith.constant 224 : index
    %swap3A_32 = tpu.vector_load %arg7[%swap3A_31] {strides = array<i32>} : memref<960xf32, #tpu.memory_space<vmem>>, vector<16xf32>,
    tpu.vector_store %arg7[%swap3A_31], %broadcast_in_dim3A_3 {strides = array<i32>} : memref<960xf32, #tpu.memory_space<vmem>>, vector<16xf32>,
    %swap3A_33 = arith.constant 240 : index
    %swap3A_34 = tpu.vector_load %arg7[%swap3A_33] {strides = array<i32>} : memref<960xf32, #tpu.memory_space<vmem>>, vector<16xf32>,
    tpu.vector_store %arg7[%swap3A_33], %broadcast_in_dim3A_3 {strides = array<i32>} : memref<960xf32, #tpu.memory_space<vmem>>, vector<16xf32>,
    %swap3A_35 = arith.constant 256 : index
    %swap3A_36 = tpu.vector_load %arg7[%swap3A_35] {strides = array<i32>} : memref<960xf32, #tpu.memory_space<vmem>>, vector<16xf32>,
    tpu.vector_store %arg7[%swap3A_35], %broadcast_in_dim3A_3 {strides = array<i32>} : memref<960xf32, #tpu.memory_space<vmem>>, vector<16xf32>,
    %swap3A_37 = arith.constant 272 : index
    %swap3A_38 = tpu.vector_load %arg7[%swap3A_37] {strides = array<i32>} : memref<960xf32, #tpu.memory_space<vmem>>, vector<16xf32>,
    tpu.vector_store %arg7[%swap3A_37], %broadcast_in_dim3A_3 {strides = array<i32>} : memref<960xf32, #tpu.memory_space<vmem>>, vector<16xf32>,
    %swap3A_39 = arith.constant 288 : index
    %swap3A_40 = tpu.vector_load %arg7[%swap3A_39] {strides = array<i32>} : memref<960xf32, #tpu.memory_space<vmem>>, vector<16xf32>,
    tpu.vector_store %arg7[%swap3A_39], %broadcast_in_dim3A_3 {strides = array<i32>} : memref<960xf32, #tpu.memory_space<vmem>>, vector<16xf32>,
    %swap3A_41 = arith.constant 304 : index
    %swap3A_42 = tpu.vector_load %arg7[%swap3A_41] {strides = array<i32>} : memref<960xf32, #tpu.memory_space<vmem>>, vector<16xf32>,
    tpu.vector_store %arg7[%swap3A_41], %broadcast_in_dim3A_3 {strides = array<i32>} : memref<960xf32, #tpu.memory_space<vmem>>, vector<16xf32>,
    %swap3A_43 = arith.constant 320 : index
    %swap3A_44 = tpu.vector_load %arg7[%swap3A_43] {strides = array<i32>} : memref<960xf32, #tpu.memory_space<vmem>>, vector<16xf32>,
    tpu.vector_store %arg7[%swap3A_43], %broadcast_in_dim3A_3 {strides = array<i32>} : memref<960xf32, #tpu.memory_space<vmem>>, vector<16xf32>,
    %swap3A_45 = arith.constant 336 : index
    %swap3A_46 = tpu.vector_load %arg7[%swap3A_45] {strides = array<i32>} : memref<960xf32, #tpu.memory_space<vmem>>, vector<16xf32>,
    tpu.vector_store %arg7[%swap3A_45], %broadcast_in_dim3A_3 {strides = array<i32>} : memref<960xf32, #tpu.memory_space<vmem>>, vector<16xf32>,
    %swap3A_47 = arith.constant 352 : index
    %swap3A_48 = tpu.vector_load %arg7[%swap3A_47] {strides = array<i32>} : memref<960xf32, #tpu.memory_space<vmem>>, vector<16xf32>,
    tpu.vector_store %arg7[%swap3A_47], %broadcast_in_dim3A_3 {strides = array<i32>} : memref<960xf32, #tpu.memory_space<vmem>>, vector<16xf32>,
    %swap3A_49 = arith.constant 368 : index
    %swap3A_50 = tpu.vector_load %arg7[%swap3A_49] {strides = array<i32>} : memref<960xf32, #tpu.memory_space<vmem>>, vector<16xf32>,
    tpu.vector_store %arg7[%swap3A_49], %broadcast_in_dim3A_3 {strides = array<i32>} : memref<960xf32, #tpu.memory_space<vmem>>, vector<16xf32>,
    %swap3A_51 = arith.constant 384 : index
    %swap3A_52 = tpu.vector_load %arg7[%swap3A_51] {strides = array<i32>} : memref<960xf32, #tpu.memory_space<vmem>>, vector<16xf32>,
    tpu.vector_store %arg7[%swap3A_51], %broadcast_in_dim3A_3 {strides = array<i32>} : memref<960xf32, #tpu.memory_space<vmem>>, vector<16xf32>,
    %swap3A_53 = arith.constant 400 : index
    %swap3A_54 = tpu.vector_load %arg7[%swap3A_53] {strides = array<i32>} : memref<960xf32, #tpu.memory_space<vmem>>, vector<16xf32>,
    tpu.vector_store %arg7[%swap3A_53], %broadcast_in_dim3A_3 {strides = array<i32>} : memref<960xf32, #tpu.memory_space<vmem>>, vector<16xf32>,
    %swap3A_55 = arith.constant 416 : index
    %swap3A_56 = tpu.vector_load %arg7[%swap3A_55] {strides = array<i32>} : memref<960xf32, #tpu.memory_space<vmem>>, vector<16xf32>,
    tpu.vector_store %arg7[%swap3A_55], %broadcast_in_dim3A_3 {strides = array<i32>} : memref<960xf32, #tpu.memory_space<vmem>>, vector<16xf32>,
    %swap3A_57 = arith.constant 432 : index
    %swap3A_58 = tpu.vector_load %arg7[%swap3A_57] {strides = array<i32>} : memref<960xf32, #tpu.memory_space<vmem>>, vector<16xf32>,
    tpu.vector_store %arg7[%swap3A_57], %broadcast_in_dim3A_3 {strides = array<i32>} : memref<960xf32, #tpu.memory_space<vmem>>, vector<16xf32>,
    %swap3A_59 = arith.constant 448 : index
    %swap3A_60 = tpu.vector_load %arg7[%swap3A_59] {strides = array<i32>} : memref<960xf32, #tpu.memory_space<vmem>>, vector<16xf32>,
    tpu.vector_store %arg7[%swap3A_59], %broadcast_in_dim3A_3 {strides = array<i32>} : memref<960xf32, #tpu.memory_space<vmem>>, vector<16xf32>,
    %swap3A_61 = arith.constant 464 : index
    %swap3A_62 = tpu.vector_load %arg7[%swap3A_61] {strides = array<i32>} : memref<960xf32, #tpu.memory_space<vmem>>, vector<16xf32>,
    tpu.vector_store %arg7[%swap3A_61], %broadcast_in_dim3A_3 {strides = array<i32>} : memref<960xf32, #tpu.memory_space<vmem>>, vector<16xf32>,
    %swap3A_63 = arith.constant 480 : index
    %swap3A_64 = tpu.vector_load %arg7[%swap3A_63] {strides = array<i32>} : memref<960xf32, #tpu.memory_space<vmem>>, vector<16xf32>,
    tpu.vector_store %arg7[%swap3A_63], %broadcast_in_dim3A_3 {strides = array<i32>} : memref<960xf32, #tpu.memory_space<vmem>>, vector<16xf32>,
    %swap3A_65 = arith.constant 496 : index
    %swap3A_66 = tpu.vector_load %arg7[%swap3A_65] {strides = array<i32>} : memref<960xf32, #tpu.memory_space<vmem>>, vector<16xf32>,
    tpu.vector_store %arg7[%swap3A_65], %broadcast_in_dim3A_3 {strides = array<i32>} : memref<960xf32, #tpu.memory_space<vmem>>, vector<16xf32>,
    %swap3A_67 = arith.constant 512 : index
    %swap3A_68 = tpu.vector_load %arg7[%swap3A_67] {strides = array<i32>} : memref<960xf32, #tpu.memory_space<vmem>>, vector<16xf32>,
    tpu.vector_store %arg7[%swap3A_67], %broadcast_in_dim3A_3 {strides = array<i32>} : memref<960xf32, #tpu.memory_space<vmem>>, vector<16xf32>,
    %swap3A_69 = arith.constant 528 : index
    %swap3A_70 = tpu.vector_load %arg7[%swap3A_69] {strides = array<i32>} : memref<960xf32, #tpu.memory_space<vmem>>, vector<16xf32>,
    tpu.vector_store %arg7[%swap3A_69], %broadcast_in_dim3A_3 {strides = array<i32>} : memref<960xf32, #tpu.memory_space<vmem>>, vector<16xf32>,
    %swap3A_71 = arith.constant 544 : index
    %swap3A_72 = tpu.vector_load %arg7[%swap3A_71] {strides = array<i32>} : memref<960xf32, #tpu.memory_space<vmem>>, vector<16xf32>,
    tpu.vector_store %arg7[%swap3A_71], %broadcast_in_dim3A_3 {strides = array<i32>} : memref<960xf32, #tpu.memory_space<vmem>>, vector<16xf32>,
    %swap3A_73 = arith.constant 560 : index
    %swap3A_74 = tpu.vector_load %arg7[%swap3A_73] {strides = array<i32>} : memref<960xf32, #tpu.memory_space<vmem>>, vector<16xf32>,
    tpu.vector_store %arg7[%swap3A_73], %broadcast_in_dim3A_3 {strides = array<i32>} : memref<960xf32, #tpu.memory_space<vmem>>, vector<16xf32>,
    %swap3A_75 = arith.constant 576 : index
    %swap3A_76 = tpu.vector_load %arg7[%swap3A_75] {strides = array<i32>} : memref<960xf32, #tpu.memory_space<vmem>>, vector<16xf32>,
    tpu.vector_store %arg7[%swap3A_75], %broadcast_in_dim3A_3 {strides = array<i32>} : memref<960xf32, #tpu.memory_space<vmem>>, vector<16xf32>,
    %swap3A_77 = arith.constant 592 : index
    %swap3A_78 = tpu.vector_load %arg7[%swap3A_77] {strides = array<i32>} : memref<960xf32, #tpu.memory_space<vmem>>, vector<16xf32>,
    tpu.vector_store %arg7[%swap3A_77], %broadcast_in_dim3A_3 {strides = array<i32>} : memref<960xf32, #tpu.memory_space<vmem>>, vector<16xf32>,
    %swap3A_79 = arith.constant 608 : index
    %swap3A_80 = tpu.vector_load %arg7[%swap3A_79] {strides = array<i32>} : memref<960xf32, #tpu.memory_space<vmem>>, vector<16xf32>,
    tpu.vector_store %arg7[%swap3A_79], %broadcast_in_dim3A_3 {strides = array<i32>} : memref<960xf32, #tpu.memory_space<vmem>>, vector<16xf32>,
    %swap3A_81 = arith.constant 624 : index
    %swap3A_82 = tpu.vector_load %arg7[%swap3A_81] {strides = array<i32>} : memref<960xf32, #tpu.memory_space<vmem>>, vector<16xf32>,
    tpu.vector_store %arg7[%swap3A_81], %broadcast_in_dim3A_3 {strides = array<i32>} : memref<960xf32, #tpu.memory_space<vmem>>, vector<16xf32>,
    %swap3A_83 = arith.constant 640 : index
    %swap3A_84 = tpu.vector_load %arg7[%swap3A_83] {strides = array<i32>} : memref<960xf32, #tpu.memory_space<vmem>>, vector<16xf32>,
    tpu.vector_store %arg7[%swap3A_83], %broadcast_in_dim3A_3 {strides = array<i32>} : memref<960xf32, #tpu.memory_space<vmem>>, vector<16xf32>,
    %swap3A_85 = arith.constant 656 : index
    %swap3A_86 = tpu.vector_load %arg7[%swap3A_85] {strides = array<i32>} : memref<960xf32, #tpu.memory_space<vmem>>, vector<16xf32>,
    tpu.vector_store %arg7[%swap3A_85], %broadcast_in_dim3A_3 {strides = array<i32>} : memref<960xf32, #tpu.memory_space<vmem>>, vector<16xf32>,
    %swap3A_87 = arith.constant 672 : index
    %swap3A_88 = tpu.vector_load %arg7[%swap3A_87] {strides = array<i32>} : memref<960xf32, #tpu.memory_space<vmem>>, vector<16xf32>,
    tpu.vector_store %arg7[%swap3A_87], %broadcast_in_dim3A_3 {strides = array<i32>} : memref<960xf32, #tpu.memory_space<vmem>>, vector<16xf32>,
    %swap3A_89 = arith.constant 688 : index
    %swap3A_90 = tpu.vector_load %arg7[%swap3A_89] {strides = array<i32>} : memref<960xf32, #tpu.memory_space<vmem>>, vector<16xf32>,
    tpu.vector_store %arg7[%swap3A_89], %broadcast_in_dim3A_3 {strides = array<i32>} : memref<960xf32, #tpu.memory_space<vmem>>, vector<16xf32>,
    %swap3A_91 = arith.constant 704 : index
    %swap3A_92 = tpu.vector_load %arg7[%swap3A_91] {strides = array<i32>} : memref<960xf32, #tpu.memory_space<vmem>>, vector<16xf32>,
    tpu.vector_store %arg7[%swap3A_91], %broadcast_in_dim3A_3 {strides = array<i32>} : memref<960xf32, #tpu.memory_space<vmem>>, vector<16xf32>,
    %swap3A_93 = arith.constant 720 : index
    %swap3A_94 = tpu.vector_load %arg7[%swap3A_93] {strides = array<i32>} : memref<960xf32, #tpu.memory_space<vmem>>, vector<16xf32>,
    tpu.vector_store %arg7[%swap3A_93], %broadcast_in_dim3A_3 {strides = array<i32>} : memref<960xf32, #tpu.memory_space<vmem>>, vector<16xf32>,
    %swap3A_95 = arith.constant 736 : index
    %swap3A_96 = tpu.vector_load %arg7[%swap3A_95] {strides = array<i32>} : memref<960xf32, #tpu.memory_space<vmem>>, vector<16xf32>,
    tpu.vector_store %arg7[%swap3A_95], %broadcast_in_dim3A_3 {strides = array<i32>} : memref<960xf32, #tpu.memory_space<vmem>>, vector<16xf32>,
    %swap3A_97 = arith.constant 752 : index
    %swap3A_98 = tpu.vector_load %arg7[%swap3A_97] {strides = array<i32>} : memref<960xf32, #tpu.memory_space<vmem>>, vector<16xf32>,
    tpu.vector_store %arg7[%swap3A_97], %broadcast_in_dim3A_3 {strides = array<i32>} : memref<960xf32, #tpu.memory_space<vmem>>, vector<16xf32>,
    %swap3A_99 = arith.constant 768 : index
    %swap3A_100 = tpu.vector_load %arg7[%swap3A_99] {strides = array<i32>} : memref<960xf32, #tpu.memory_space<vmem>>, vector<16xf32>,
    tpu.vector_store %arg7[%swap3A_99], %broadcast_in_dim3A_3 {strides = array<i32>} : memref<960xf32, #tpu.memory_space<vmem>>, vector<16xf32>,
    %swap3A_101 = arith.constant 784 : index
    %swap3A_102 = tpu.vector_load %arg7[%swap3A_101] {strides = array<i32>} : memref<960xf32, #tpu.memory_space<vmem>>, vector<16xf32>,
    tpu.vector_store %arg7[%swap3A_101], %broadcast_in_dim3A_3 {strides = array<i32>} : memref<960xf32, #tpu.memory_space<vmem>>, vector<16xf32>,
    %swap3A_103 = arith.constant 800 : index
    %swap3A_104 = tpu.vector_load %arg7[%swap3A_103] {strides = array<i32>} : memref<960xf32, #tpu.memory_space<vmem>>, vector<16xf32>,
    tpu.vector_store %arg7[%swap3A_103], %broadcast_in_dim3A_3 {strides = array<i32>} : memref<960xf32, #tpu.memory_space<vmem>>, vector<16xf32>,
    %swap3A_105 = arith.constant 816 : index
    %swap3A_106 = tpu.vector_load %arg7[%swap3A_105] {strides = array<i32>} : memref<960xf32, #tpu.memory_space<vmem>>, vector<16xf32>,
    tpu.vector_store %arg7[%swap3A_105], %broadcast_in_dim3A_3 {strides = array<i32>} : memref<960xf32, #tpu.memory_space<vmem>>, vector<16xf32>,
    %swap3A_107 = arith.constant 832 : index
    %swap3A_108 = tpu.vector_load %arg7[%swap3A_107] {strides = array<i32>} : memref<960xf32, #tpu.memory_space<vmem>>, vector<16xf32>,
    tpu.vector_store %arg7[%swap3A_107], %broadcast_in_dim3A_3 {strides = array<i32>} : memref<960xf32, #tpu.memory_space<vmem>>, vector<16xf32>,
    %swap3A_109 = arith.constant 848 : index
    %swap3A_110 = tpu.vector_load %arg7[%swap3A_109] {strides = array<i32>} : memref<960xf32, #tpu.memory_space<vmem>>, vector<16xf32>,
    tpu.vector_store %arg7[%swap3A_109], %broadcast_in_dim3A_3 {strides = array<i32>} : memref<960xf32, #tpu.memory_space<vmem>>, vector<16xf32>,
    %swap3A_111 = arith.constant 864 : index
    %swap3A_112 = tpu.vector_load %arg7[%swap3A_111] {strides = array<i32>} : memref<960xf32, #tpu.memory_space<vmem>>, vector<16xf32>,
    tpu.vector_store %arg7[%swap3A_111], %broadcast_in_dim3A_3 {strides = array<i32>} : memref<960xf32, #tpu.memory_space<vmem>>, vector<16xf32>,
    %swap3A_113 = arith.constant 880 : index
    %swap3A_114 = tpu.vector_load %arg7[%swap3A_113] {strides = array<i32>} : memref<960xf32, #tpu.memory_space<vmem>>, vector<16xf32>,
    tpu.vector_store %arg7[%swap3A_113], %broadcast_in_dim3A_3 {strides = array<i32>} : memref<960xf32, #tpu.memory_space<vmem>>, vector<16xf32>,
    %swap3A_115 = arith.constant 896 : index
    %swap3A_116 = tpu.vector_load %arg7[%swap3A_115] {strides = array<i32>} : memref<960xf32, #tpu.memory_space<vmem>>, vector<16xf32>,
    tpu.vector_store %arg7[%swap3A_115], %broadcast_in_dim3A_3 {strides = array<i32>} : memref<960xf32, #tpu.memory_space<vmem>>, vector<16xf32>,
    %swap3A_117 = arith.constant 912 : index
    %swap3A_118 = tpu.vector_load %arg7[%swap3A_117] {strides = array<i32>} : memref<960xf32, #tpu.memory_space<vmem>>, vector<16xf32>,
    tpu.vector_store %arg7[%swap3A_117], %broadcast_in_dim3A_3 {strides = array<i32>} : memref<960xf32, #tpu.memory_space<vmem>>, vector<16xf32>,
    %swap3A_119 = arith.constant 928 : index
    %swap3A_120 = tpu.vector_load %arg7[%swap3A_119] {strides = array<i32>} : memref<960xf32, #tpu.memory_space<vmem>>, vector<16xf32>,
    tpu.vector_store %arg7[%swap3A_119], %broadcast_in_dim3A_3 {strides = array<i32>} : memref<960xf32, #tpu.memory_space<vmem>>, vector<16xf32>,
    %swap3A_121 = arith.constant 944 : index
    %swap3A_122 = tpu.vector_load %arg7[%swap3A_121] {strides = array<i32>} : memref<960xf32, #tpu.memory_space<vmem>>, vector<16xf32>,
    tpu.vector_store %arg7[%swap3A_121], %broadcast_in_dim3A_3 {strides = array<i32>} : memref<960xf32, #tpu.memory_space<vmem>>, vector<16xf32>,
    %iota3A = tpu.iota {dimensions = array<i32: 0>} : vector<16xi32>
    %add3A_123 = arith.constant 0 : i32
    %add3A_124 = vector.broadcast %add3A_123 : i32 to vector<16xi32>
    %add3A_125 = arith.addi %iota3A, %add3A_124 : vector<16xi32>
    %add3A_126 = arith.constant 240 : i32
    %add3A_127 = vector.broadcast %add3A_126 : i32 to vector<16xi32>
    %add3A_128 = arith.addi %iota3A, %add3A_127 : vector<16xi32>
    %add3A_129 = arith.constant 480 : i32
    %add3A_130 = vector.broadcast %add3A_129 : i32 to vector<16xi32>
    %add3A_131 = arith.addi %iota3A, %add3A_130 : vector<16xi32>
    %add3A_132 = arith.constant 720 : i32
    %add3A_133 = vector.broadcast %add3A_132 : i32 to vector<16xi32>
    %add3A_134 = arith.addi %iota3A, %add3A_133 : vector<16xi32>
    %sub3A = arith.constant 16 : i32
    %sub3A_135 = vector.broadcast %sub3A : i32 to vector<16xi32>
    %sub3A_136 = arith.subi %add3A_125, %sub3A_135 : vector<16xi32>
    %sub3A_137 = arith.constant 16 : i32
    %sub3A_138 = vector.broadcast %sub3A_137 : i32 to vector<16xi32>
    %sub3A_139 = arith.subi %add3A_128, %sub3A_138 : vector<16xi32>
    %sub3A_140 = arith.constant 16 : i32
    %sub3A_141 = vector.broadcast %sub3A_140 : i32 to vector<16xi32>
    %sub3A_142 = arith.subi %add3A_131, %sub3A_141 : vector<16xi32>
    %sub3A_143 = arith.constant 16 : i32
    %sub3A_144 = vector.broadcast %sub3A_143 : i32 to vector<16xi32>
    %sub3A_145 = arith.subi %add3A_134, %sub3A_144 : vector<16xi32>
    %add3A_146 = arith.constant 0 : i32
    %add3A_147 = arith.addi %mul3A_2, %add3A_146 : i32
    %dma_start3A = tpu.memref_slice %arg2[%add3A_147] : memref<16777216xf32, #tpu.memory_space<hbm>> -> memref<16384xf32, #tpu.memory_space<hbm>>
    %dma_start3A_148 = tpu.memref_slice %arg2[%add3A_147] : memref<16777216xf32, #tpu.memory_space<hbm>> -> memref<16384xf32, #tpu.memory_space<hbm>>
    tpu.enqueue_dma source(%dma_start3A_148 : memref<16384xf32, #tpu.memory_space<hbm>>) target(%arg8 : memref<16384xf32, #tpu.memory_space<vmem>>) target_semaphore(%arg12 : memref<!tpu.dma_semaphore, #tpu.memory_space<semaphore_mem>>)
    %dma_start3A_149 = tpu.memref_slice %arg3[%add3A_147] : memref<16777216xf32, #tpu.memory_space<hbm>> -> memref<16384xf32, #tpu.memory_space<hbm>>
    %dma_start3A_150 = tpu.memref_slice %arg3[%add3A_147] : memref<16777216xf32, #tpu.memory_space<hbm>> -> memref<16384xf32, #tpu.memory_space<hbm>>
    tpu.enqueue_dma source(%dma_start3A_150 : memref<16384xf32, #tpu.memory_space<hbm>>) target(%arg9 : memref<16384xf32, #tpu.memory_space<vmem>>) target_semaphore(%arg12 : memref<!tpu.dma_semaphore, #tpu.memory_space<semaphore_mem>>)
    %add3A_151 = arith.constant 16384 : i32
    %add3A_152 = arith.addi %mul3A_2, %add3A_151 : i32
    %dma_start3A_153 = tpu.memref_slice %arg2[%add3A_152] : memref<16777216xf32, #tpu.memory_space<hbm>> -> memref<16384xf32, #tpu.memory_space<hbm>>
    %dma_start3A_154 = tpu.memref_slice %arg2[%add3A_152] : memref<16777216xf32, #tpu.memory_space<hbm>> -> memref<16384xf32, #tpu.memory_space<hbm>>
    tpu.enqueue_dma source(%dma_start3A_154 : memref<16384xf32, #tpu.memory_space<hbm>>) target(%arg10 : memref<16384xf32, #tpu.memory_space<vmem>>) target_semaphore(%arg13 : memref<!tpu.dma_semaphore, #tpu.memory_space<semaphore_mem>>)
    %dma_start3A_155 = tpu.memref_slice %arg3[%add3A_152] : memref<16777216xf32, #tpu.memory_space<hbm>> -> memref<16384xf32, #tpu.memory_space<hbm>>
    %dma_start3A_156 = tpu.memref_slice %arg3[%add3A_152] : memref<16777216xf32, #tpu.memory_space<hbm>> -> memref<16384xf32, #tpu.memory_space<hbm>>
    tpu.enqueue_dma source(%dma_start3A_156 : memref<16384xf32, #tpu.memory_space<hbm>>) target(%arg11 : memref<16384xf32, #tpu.memory_space<vmem>>) target_semaphore(%arg13 : memref<!tpu.dma_semaphore, #tpu.memory_space<semaphore_mem>>)
    %scan3A = arith.constant 0 : i32
    %scan3A_157 = arith.constant 0 : i32
    %scan3A_158 = arith.constant 16 : i32
    %scan3A_159 = arith.addi %scan3A_157, %scan3A_158 : i32
    %scan3A_160 = arith.constant 1 : i32
    scf.for %scan3A_164 = %scan3A_157 to %scan3A_159 step %scan3A_160  : i32 {
      %mul3A_165 = arith.constant 2 : i32
      %mul3A_166 = arith.muli %scan3A_164, %mul3A_165 : i32
      %add3A_167 = arith.constant 0 : i32
      %add3A_168 = arith.addi %mul3A_166, %add3A_167 : i32
      %dma_wait3A = arith.constant 0 : i32
      %dma_wait3A_169 = tpu.memref_slice %arg2[%dma_wait3A] : memref<16777216xf32, #tpu.memory_space<hbm>> -> memref<16384xf32, #tpu.memory_space<hbm>>
      %dma_wait3A_170 = arith.constant 0 : i32
      %dma_wait3A_171 = tpu.memref_slice %arg2[%dma_wait3A_170] : memref<16777216xf32, #tpu.memory_space<hbm>> -> memref<16384xf32, #tpu.memory_space<hbm>>
      tpu.wait_dma2 semaphore(%arg12 : memref<!tpu.dma_semaphore, #tpu.memory_space<semaphore_mem>>) src(%dma_wait3A_171 : memref<16384xf32, #tpu.memory_space<hbm>>) dst(%arg8 : memref<16384xf32, #tpu.memory_space<vmem>>)
      %dma_wait3A_172 = arith.constant 0 : i32
      %dma_wait3A_173 = tpu.memref_slice %arg3[%dma_wait3A_172] : memref<16777216xf32, #tpu.memory_space<hbm>> -> memref<16384xf32, #tpu.memory_space<hbm>>
      %dma_wait3A_174 = arith.constant 0 : i32
      %dma_wait3A_175 = tpu.memref_slice %arg3[%dma_wait3A_174] : memref<16777216xf32, #tpu.memory_space<hbm>> -> memref<16384xf32, #tpu.memory_space<hbm>>
      tpu.wait_dma2 semaphore(%arg12 : memref<!tpu.dma_semaphore, #tpu.memory_space<semaphore_mem>>) src(%dma_wait3A_175 : memref<16384xf32, #tpu.memory_space<hbm>>) dst(%arg9 : memref<16384xf32, #tpu.memory_space<vmem>>)
      %parallel_loop3A = arith.constant 0 : i32
      %parallel_loop3A_176 = arith.constant 1024 : i32
      %parallel_loop3A_177 = arith.constant 4 : i32
      scf.for %parallel_loop3A_202 = %parallel_loop3A to %parallel_loop3A_176 step %parallel_loop3A_177  : i32 {
        %parallel_loop3A_203 = arith.constant 0 : i32
        %parallel_loop3A_204 = arith.addi %parallel_loop3A_202, %parallel_loop3A_203 : i32
        %parallel_loop3A_205 = arith.constant 16 : i32
        %parallel_loop3A_206 = arith.muli %parallel_loop3A_204, %parallel_loop3A_205 : i32
        %parallel_loop3A_207 = tpu.assume_multiple %parallel_loop3A_206, 16 : i32
        %parallel_loop3A_208 = arith.index_cast %parallel_loop3A_207 : i32 to index
        %parallel_loop3A_209 = tpu.vector_load %arg9[%parallel_loop3A_208] {strides = array<i32>} : memref<16384xf32, #tpu.memory_space<vmem>>, vector<16xf32>,
        %parallel_loop3A_210 = arith.index_cast %parallel_loop3A_207 : i32 to index
        %parallel_loop3A_211 = tpu.vector_load %arg8[%parallel_loop3A_210] {strides = array<i32>} : memref<16384xf32, #tpu.memory_space<vmem>>, vector<16xf32>,
        %parallel_loop3A_212 = arith.subf %parallel_loop3A_209, %parallel_loop3A_211 : vector<16xf32>
        %parallel_loop3A_213 = arith.constant 1.500000e+01 : f32
        %parallel_loop3A_214 = vector.broadcast %parallel_loop3A_213 : f32 to vector<16xf32>
        %parallel_loop3A_215 = arith.mulf %parallel_loop3A_209, %parallel_loop3A_214 : vector<16xf32>
        %parallel_loop3A_216 = arith.constant 0x4B000000 : f32
        %parallel_loop3A_217 = vector.broadcast %parallel_loop3A_216 : f32 to vector<16xf32>
        %parallel_loop3A_218 = arith.addf %parallel_loop3A_215, %parallel_loop3A_217 : vector<16xf32>
        %parallel_loop3A_219 = vector.bitcast %parallel_loop3A_218 : vector<16xf32> to vector<16xi32>
        %parallel_loop3A_220 = arith.constant 1258291200 : i32
        %parallel_loop3A_221 = vector.broadcast %parallel_loop3A_220 : i32 to vector<16xi32>
        %parallel_loop3A_222 = arith.subi %parallel_loop3A_219, %parallel_loop3A_221 : vector<16xi32>
        %parallel_loop3A_223 = tpu.vector_load_idx %arg6[%parallel_loop3A_222] : memref<16xf32, #tpu.memory_space<vmem>>[vector<16xi32>], vector<16xf32>,
        %parallel_loop3A_224 = arith.cmpf ole, %parallel_loop3A_209, %parallel_loop3A_223 : vector<16xf32>
        %parallel_loop3A_225 = arith.select %parallel_loop3A_224, %sub3A_136, %add3A_125 : vector<16xi1>, vector<16xi32>
        %parallel_loop3A_226 = arith.constant 16 : i32
        %parallel_loop3A_227 = vector.broadcast %parallel_loop3A_226 : i32 to vector<16xi32>
        %parallel_loop3A_228 = arith.muli %parallel_loop3A_222, %parallel_loop3A_227 : vector<16xi32>
        %parallel_loop3A_229 = arith.addi %parallel_loop3A_228, %parallel_loop3A_225 : vector<16xi32>
        %parallel_loop3A_230 = arith.constant 0 : i32
        %parallel_loop3A_231 = vector.broadcast %parallel_loop3A_230 : i32 to vector<16xi32>
        %parallel_loop3A_232 = arith.cmpi sge, %parallel_loop3A_229, %parallel_loop3A_231 : vector<16xi32>
        tpu.vector_store_idx %arg7[%parallel_loop3A_229], %parallel_loop3A_212 masked %parallel_loop3A_232 {add = true} : memref<960xf32, #tpu.memory_space<vmem>>[vector<16xi32>], vector<16xf32>, vector<16xi1>
        %parallel_loop3A_233 = arith.constant 1 : i32
        %parallel_loop3A_234 = arith.addi %parallel_loop3A_202, %parallel_loop3A_233 : i32
        %parallel_loop3A_235 = arith.constant 16 : i32
        %parallel_loop3A_236 = arith.muli %parallel_loop3A_234, %parallel_loop3A_235 : i32
        %parallel_loop3A_237 = tpu.assume_multiple %parallel_loop3A_236, 16 : i32
        %parallel_loop3A_238 = arith.index_cast %parallel_loop3A_237 : i32 to index
        %parallel_loop3A_239 = tpu.vector_load %arg9[%parallel_loop3A_238] {strides = array<i32>} : memref<16384xf32, #tpu.memory_space<vmem>>, vector<16xf32>,
        %parallel_loop3A_240 = arith.index_cast %parallel_loop3A_237 : i32 to index
        %parallel_loop3A_241 = tpu.vector_load %arg8[%parallel_loop3A_240] {strides = array<i32>} : memref<16384xf32, #tpu.memory_space<vmem>>, vector<16xf32>,
        %parallel_loop3A_242 = arith.subf %parallel_loop3A_239, %parallel_loop3A_241 : vector<16xf32>
        %parallel_loop3A_243 = arith.constant 1.500000e+01 : f32
        %parallel_loop3A_244 = vector.broadcast %parallel_loop3A_243 : f32 to vector<16xf32>
        %parallel_loop3A_245 = arith.mulf %parallel_loop3A_239, %parallel_loop3A_244 : vector<16xf32>
        %parallel_loop3A_246 = arith.constant 0x4B000000 : f32
        %parallel_loop3A_247 = vector.broadcast %parallel_loop3A_246 : f32 to vector<16xf32>
        %parallel_loop3A_248 = arith.addf %parallel_loop3A_245, %parallel_loop3A_247 : vector<16xf32>
        %parallel_loop3A_249 = vector.bitcast %parallel_loop3A_248 : vector<16xf32> to vector<16xi32>
        %parallel_loop3A_250 = arith.constant 1258291200 : i32
        %parallel_loop3A_251 = vector.broadcast %parallel_loop3A_250 : i32 to vector<16xi32>
        %parallel_loop3A_252 = arith.subi %parallel_loop3A_249, %parallel_loop3A_251 : vector<16xi32>
        %parallel_loop3A_253 = tpu.vector_load_idx %arg6[%parallel_loop3A_252] : memref<16xf32, #tpu.memory_space<vmem>>[vector<16xi32>], vector<16xf32>,
        %parallel_loop3A_254 = arith.cmpf ole, %parallel_loop3A_239, %parallel_loop3A_253 : vector<16xf32>
        %parallel_loop3A_255 = arith.select %parallel_loop3A_254, %sub3A_139, %add3A_128 : vector<16xi1>, vector<16xi32>
        %parallel_loop3A_256 = arith.constant 16 : i32
        %parallel_loop3A_257 = vector.broadcast %parallel_loop3A_256 : i32 to vector<16xi32>
        %parallel_loop3A_258 = arith.muli %parallel_loop3A_252, %parallel_loop3A_257 : vector<16xi32>
        %parallel_loop3A_259 = arith.addi %parallel_loop3A_258, %parallel_loop3A_255 : vector<16xi32>
        %parallel_loop3A_260 = arith.constant 240 : i32
        %parallel_loop3A_261 = vector.broadcast %parallel_loop3A_260 : i32 to vector<16xi32>
        %parallel_loop3A_262 = arith.cmpi sge, %parallel_loop3A_259, %parallel_loop3A_261 : vector<16xi32>
        tpu.vector_store_idx %arg7[%parallel_loop3A_259], %parallel_loop3A_242 masked %parallel_loop3A_262 {add = true} : memref<960xf32, #tpu.memory_space<vmem>>[vector<16xi32>], vector<16xf32>, vector<16xi1>
        %parallel_loop3A_263 = arith.constant 2 : i32
        %parallel_loop3A_264 = arith.addi %parallel_loop3A_202, %parallel_loop3A_263 : i32
        %parallel_loop3A_265 = arith.constant 16 : i32
        %parallel_loop3A_266 = arith.muli %parallel_loop3A_264, %parallel_loop3A_265 : i32
        %parallel_loop3A_267 = tpu.assume_multiple %parallel_loop3A_266, 16 : i32
        %parallel_loop3A_268 = arith.index_cast %parallel_loop3A_267 : i32 to index
        %parallel_loop3A_269 = tpu.vector_load %arg9[%parallel_loop3A_268] {strides = array<i32>} : memref<16384xf32, #tpu.memory_space<vmem>>, vector<16xf32>,
        %parallel_loop3A_270 = arith.index_cast %parallel_loop3A_267 : i32 to index
        %parallel_loop3A_271 = tpu.vector_load %arg8[%parallel_loop3A_270] {strides = array<i32>} : memref<16384xf32, #tpu.memory_space<vmem>>, vector<16xf32>,
        %parallel_loop3A_272 = arith.subf %parallel_loop3A_269, %parallel_loop3A_271 : vector<16xf32>
        %parallel_loop3A_273 = arith.constant 1.500000e+01 : f32
        %parallel_loop3A_274 = vector.broadcast %parallel_loop3A_273 : f32 to vector<16xf32>
        %parallel_loop3A_275 = arith.mulf %parallel_loop3A_269, %parallel_loop3A_274 : vector<16xf32>
        %parallel_loop3A_276 = arith.constant 0x4B000000 : f32
        %parallel_loop3A_277 = vector.broadcast %parallel_loop3A_276 : f32 to vector<16xf32>
        %parallel_loop3A_278 = arith.addf %parallel_loop3A_275, %parallel_loop3A_277 : vector<16xf32>
        %parallel_loop3A_279 = vector.bitcast %parallel_loop3A_278 : vector<16xf32> to vector<16xi32>
        %parallel_loop3A_280 = arith.constant 1258291200 : i32
        %parallel_loop3A_281 = vector.broadcast %parallel_loop3A_280 : i32 to vector<16xi32>
        %parallel_loop3A_282 = arith.subi %parallel_loop3A_279, %parallel_loop3A_281 : vector<16xi32>
        %parallel_loop3A_283 = tpu.vector_load_idx %arg6[%parallel_loop3A_282] : memref<16xf32, #tpu.memory_space<vmem>>[vector<16xi32>], vector<16xf32>,
        %parallel_loop3A_284 = arith.cmpf ole, %parallel_loop3A_269, %parallel_loop3A_283 : vector<16xf32>
        %parallel_loop3A_285 = arith.select %parallel_loop3A_284, %sub3A_142, %add3A_131 : vector<16xi1>, vector<16xi32>
        %parallel_loop3A_286 = arith.constant 16 : i32
        %parallel_loop3A_287 = vector.broadcast %parallel_loop3A_286 : i32 to vector<16xi32>
        %parallel_loop3A_288 = arith.muli %parallel_loop3A_282, %parallel_loop3A_287 : vector<16xi32>
        %parallel_loop3A_289 = arith.addi %parallel_loop3A_288, %parallel_loop3A_285 : vector<16xi32>
        %parallel_loop3A_290 = arith.constant 480 : i32
        %parallel_loop3A_291 = vector.broadcast %parallel_loop3A_290 : i32 to vector<16xi32>
        %parallel_loop3A_292 = arith.cmpi sge, %parallel_loop3A_289, %parallel_loop3A_291 : vector<16xi32>
        tpu.vector_store_idx %arg7[%parallel_loop3A_289], %parallel_loop3A_272 masked %parallel_loop3A_292 {add = true} : memref<960xf32, #tpu.memory_space<vmem>>[vector<16xi32>], vector<16xf32>, vector<16xi1>
        %parallel_loop3A_293 = arith.constant 3 : i32
        %parallel_loop3A_294 = arith.addi %parallel_loop3A_202, %parallel_loop3A_293 : i32
        %parallel_loop3A_295 = arith.constant 16 : i32
        %parallel_loop3A_296 = arith.muli %parallel_loop3A_294, %parallel_loop3A_295 : i32
        %parallel_loop3A_297 = tpu.assume_multiple %parallel_loop3A_296, 16 : i32
        %parallel_loop3A_298 = arith.index_cast %parallel_loop3A_297 : i32 to index
        %parallel_loop3A_299 = tpu.vector_load %arg9[%parallel_loop3A_298] {strides = array<i32>} : memref<16384xf32, #tpu.memory_space<vmem>>, vector<16xf32>,
        %parallel_loop3A_300 = arith.index_cast %parallel_loop3A_297 : i32 to index
        %parallel_loop3A_301 = tpu.vector_load %arg8[%parallel_loop3A_300] {strides = array<i32>} : memref<16384xf32, #tpu.memory_space<vmem>>, vector<16xf32>,
        %parallel_loop3A_302 = arith.subf %parallel_loop3A_299, %parallel_loop3A_301 : vector<16xf32>
        %parallel_loop3A_303 = arith.constant 1.500000e+01 : f32
        %parallel_loop3A_304 = vector.broadcast %parallel_loop3A_303 : f32 to vector<16xf32>
        %parallel_loop3A_305 = arith.mulf %parallel_loop3A_299, %parallel_loop3A_304 : vector<16xf32>
        %parallel_loop3A_306 = arith.constant 0x4B000000 : f32
        %parallel_loop3A_307 = vector.broadcast %parallel_loop3A_306 : f32 to vector<16xf32>
        %parallel_loop3A_308 = arith.addf %parallel_loop3A_305, %parallel_loop3A_307 : vector<16xf32>
        %parallel_loop3A_309 = vector.bitcast %parallel_loop3A_308 : vector<16xf32> to vector<16xi32>
        %parallel_loop3A_310 = arith.constant 1258291200 : i32
        %parallel_loop3A_311 = vector.broadcast %parallel_loop3A_310 : i32 to vector<16xi32>
        %parallel_loop3A_312 = arith.subi %parallel_loop3A_309, %parallel_loop3A_311 : vector<16xi32>
        %parallel_loop3A_313 = tpu.vector_load_idx %arg6[%parallel_loop3A_312] : memref<16xf32, #tpu.memory_space<vmem>>[vector<16xi32>], vector<16xf32>,
        %parallel_loop3A_314 = arith.cmpf ole, %parallel_loop3A_299, %parallel_loop3A_313 : vector<16xf32>
        %parallel_loop3A_315 = arith.select %parallel_loop3A_314, %sub3A_145, %add3A_134 : vector<16xi1>, vector<16xi32>
        %parallel_loop3A_316 = arith.constant 16 : i32
        %parallel_loop3A_317 = vector.broadcast %parallel_loop3A_316 : i32 to vector<16xi32>
        %parallel_loop3A_318 = arith.muli %parallel_loop3A_312, %parallel_loop3A_317 : vector<16xi32>
        %parallel_loop3A_319 = arith.addi %parallel_loop3A_318, %parallel_loop3A_315 : vector<16xi32>
        %parallel_loop3A_320 = arith.constant 720 : i32
        %parallel_loop3A_321 = vector.broadcast %parallel_loop3A_320 : i32 to vector<16xi32>
        %parallel_loop3A_322 = arith.cmpi sge, %parallel_loop3A_319, %parallel_loop3A_321 : vector<16xi32>
        tpu.vector_store_idx %arg7[%parallel_loop3A_319], %parallel_loop3A_302 masked %parallel_loop3A_322 {add = true} : memref<960xf32, #tpu.memory_space<vmem>>[vector<16xi32>], vector<16xf32>, vector<16xi1>
      } {sc.loop_unroll_factor = 4 : i64, sc.parallel_access}
      %add3A_178 = arith.constant 2 : i32
      %add3A_179 = arith.addi %add3A_168, %add3A_178 : i32
      %lt3A = arith.constant 32 : i32
      %lt3A_180 = arith.cmpi slt, %add3A_179, %lt3A : i32
      %convert_element_type3A = arith.extui %lt3A_180 : i1 to i32
      %cond3A = arith.constant 0 : i32
      %cond3A_181 = arith.cmpi ne, %convert_element_type3A, %cond3A : i32
      scf.if %cond3A_181 {
        %add3A_202 = arith.constant 2 : i32
        %add3A_203 = arith.addi %add3A_168, %add3A_202 : i32
        %mul3A_204 = arith.constant 16384 : i32
        %mul3A_205 = arith.muli %add3A_203, %mul3A_204 : i32
        %add3A_206 = arith.addi %mul3A_2, %mul3A_205 : i32
        %dma_start3A_207 = tpu.memref_slice %arg2[%add3A_206] : memref<16777216xf32, #tpu.memory_space<hbm>> -> memref<16384xf32, #tpu.memory_space<hbm>>
        %dma_start3A_208 = tpu.memref_slice %arg2[%add3A_206] : memref<16777216xf32, #tpu.memory_space<hbm>> -> memref<16384xf32, #tpu.memory_space<hbm>>
        tpu.enqueue_dma source(%dma_start3A_208 : memref<16384xf32, #tpu.memory_space<hbm>>) target(%arg8 : memref<16384xf32, #tpu.memory_space<vmem>>) target_semaphore(%arg12 : memref<!tpu.dma_semaphore, #tpu.memory_space<semaphore_mem>>)
        %dma_start3A_209 = tpu.memref_slice %arg3[%add3A_206] : memref<16777216xf32, #tpu.memory_space<hbm>> -> memref<16384xf32, #tpu.memory_space<hbm>>
        %dma_start3A_210 = tpu.memref_slice %arg3[%add3A_206] : memref<16777216xf32, #tpu.memory_space<hbm>> -> memref<16384xf32, #tpu.memory_space<hbm>>
        tpu.enqueue_dma source(%dma_start3A_210 : memref<16384xf32, #tpu.memory_space<hbm>>) target(%arg9 : memref<16384xf32, #tpu.memory_space<vmem>>) target_semaphore(%arg12 : memref<!tpu.dma_semaphore, #tpu.memory_space<semaphore_mem>>)
      } else {
      }
      %add3A_182 = arith.constant 1 : i32
      %add3A_183 = arith.addi %mul3A_166, %add3A_182 : i32
      %dma_wait3A_184 = arith.constant 0 : i32
      %dma_wait3A_185 = tpu.memref_slice %arg2[%dma_wait3A_184] : memref<16777216xf32, #tpu.memory_space<hbm>> -> memref<16384xf32, #tpu.memory_space<hbm>>
      %dma_wait3A_186 = arith.constant 0 : i32
      %dma_wait3A_187 = tpu.memref_slice %arg2[%dma_wait3A_186] : memref<16777216xf32, #tpu.memory_space<hbm>> -> memref<16384xf32, #tpu.memory_space<hbm>>
      tpu.wait_dma2 semaphore(%arg13 : memref<!tpu.dma_semaphore, #tpu.memory_space<semaphore_mem>>) src(%dma_wait3A_187 : memref<16384xf32, #tpu.memory_space<hbm>>) dst(%arg10 : memref<16384xf32, #tpu.memory_space<vmem>>)
      %dma_wait3A_188 = arith.constant 0 : i32
      %dma_wait3A_189 = tpu.memref_slice %arg3[%dma_wait3A_188] : memref<16777216xf32, #tpu.memory_space<hbm>> -> memref<16384xf32, #tpu.memory_space<hbm>>
      %dma_wait3A_190 = arith.constant 0 : i32
      %dma_wait3A_191 = tpu.memref_slice %arg3[%dma_wait3A_190] : memref<16777216xf32, #tpu.memory_space<hbm>> -> memref<16384xf32, #tpu.memory_space<hbm>>
      tpu.wait_dma2 semaphore(%arg13 : memref<!tpu.dma_semaphore, #tpu.memory_space<semaphore_mem>>) src(%dma_wait3A_191 : memref<16384xf32, #tpu.memory_space<hbm>>) dst(%arg11 : memref<16384xf32, #tpu.memory_space<vmem>>)
      %parallel_loop3A_192 = arith.constant 0 : i32
      %parallel_loop3A_193 = arith.constant 1024 : i32
      %parallel_loop3A_194 = arith.constant 4 : i32
      scf.for %parallel_loop3A_202 = %parallel_loop3A_192 to %parallel_loop3A_193 step %parallel_loop3A_194  : i32 {
        %parallel_loop3A_203 = arith.constant 0 : i32
        %parallel_loop3A_204 = arith.addi %parallel_loop3A_202, %parallel_loop3A_203 : i32
        %parallel_loop3A_205 = arith.constant 16 : i32
        %parallel_loop3A_206 = arith.muli %parallel_loop3A_204, %parallel_loop3A_205 : i32
        %parallel_loop3A_207 = tpu.assume_multiple %parallel_loop3A_206, 16 : i32
        %parallel_loop3A_208 = arith.index_cast %parallel_loop3A_207 : i32 to index
        %parallel_loop3A_209 = tpu.vector_load %arg11[%parallel_loop3A_208] {strides = array<i32>} : memref<16384xf32, #tpu.memory_space<vmem>>, vector<16xf32>,
        %parallel_loop3A_210 = arith.index_cast %parallel_loop3A_207 : i32 to index
        %parallel_loop3A_211 = tpu.vector_load %arg10[%parallel_loop3A_210] {strides = array<i32>} : memref<16384xf32, #tpu.memory_space<vmem>>, vector<16xf32>,
        %parallel_loop3A_212 = arith.subf %parallel_loop3A_209, %parallel_loop3A_211 : vector<16xf32>
        %parallel_loop3A_213 = arith.constant 1.500000e+01 : f32
        %parallel_loop3A_214 = vector.broadcast %parallel_loop3A_213 : f32 to vector<16xf32>
        %parallel_loop3A_215 = arith.mulf %parallel_loop3A_209, %parallel_loop3A_214 : vector<16xf32>
        %parallel_loop3A_216 = arith.constant 0x4B000000 : f32
        %parallel_loop3A_217 = vector.broadcast %parallel_loop3A_216 : f32 to vector<16xf32>
        %parallel_loop3A_218 = arith.addf %parallel_loop3A_215, %parallel_loop3A_217 : vector<16xf32>
        %parallel_loop3A_219 = vector.bitcast %parallel_loop3A_218 : vector<16xf32> to vector<16xi32>
        %parallel_loop3A_220 = arith.constant 1258291200 : i32
        %parallel_loop3A_221 = vector.broadcast %parallel_loop3A_220 : i32 to vector<16xi32>
        %parallel_loop3A_222 = arith.subi %parallel_loop3A_219, %parallel_loop3A_221 : vector<16xi32>
        %parallel_loop3A_223 = tpu.vector_load_idx %arg6[%parallel_loop3A_222] : memref<16xf32, #tpu.memory_space<vmem>>[vector<16xi32>], vector<16xf32>,
        %parallel_loop3A_224 = arith.cmpf ole, %parallel_loop3A_209, %parallel_loop3A_223 : vector<16xf32>
        %parallel_loop3A_225 = arith.select %parallel_loop3A_224, %sub3A_136, %add3A_125 : vector<16xi1>, vector<16xi32>
        %parallel_loop3A_226 = arith.constant 16 : i32
        %parallel_loop3A_227 = vector.broadcast %parallel_loop3A_226 : i32 to vector<16xi32>
        %parallel_loop3A_228 = arith.muli %parallel_loop3A_222, %parallel_loop3A_227 : vector<16xi32>
        %parallel_loop3A_229 = arith.addi %parallel_loop3A_228, %parallel_loop3A_225 : vector<16xi32>
        %parallel_loop3A_230 = arith.constant 0 : i32
        %parallel_loop3A_231 = vector.broadcast %parallel_loop3A_230 : i32 to vector<16xi32>
        %parallel_loop3A_232 = arith.cmpi sge, %parallel_loop3A_229, %parallel_loop3A_231 : vector<16xi32>
        tpu.vector_store_idx %arg7[%parallel_loop3A_229], %parallel_loop3A_212 masked %parallel_loop3A_232 {add = true} : memref<960xf32, #tpu.memory_space<vmem>>[vector<16xi32>], vector<16xf32>, vector<16xi1>
        %parallel_loop3A_233 = arith.constant 1 : i32
        %parallel_loop3A_234 = arith.addi %parallel_loop3A_202, %parallel_loop3A_233 : i32
        %parallel_loop3A_235 = arith.constant 16 : i32
        %parallel_loop3A_236 = arith.muli %parallel_loop3A_234, %parallel_loop3A_235 : i32
        %parallel_loop3A_237 = tpu.assume_multiple %parallel_loop3A_236, 16 : i32
        %parallel_loop3A_238 = arith.index_cast %parallel_loop3A_237 : i32 to index
        %parallel_loop3A_239 = tpu.vector_load %arg11[%parallel_loop3A_238] {strides = array<i32>} : memref<16384xf32, #tpu.memory_space<vmem>>, vector<16xf32>,
        %parallel_loop3A_240 = arith.index_cast %parallel_loop3A_237 : i32 to index
        %parallel_loop3A_241 = tpu.vector_load %arg10[%parallel_loop3A_240] {strides = array<i32>} : memref<16384xf32, #tpu.memory_space<vmem>>, vector<16xf32>,
        %parallel_loop3A_242 = arith.subf %parallel_loop3A_239, %parallel_loop3A_241 : vector<16xf32>
        %parallel_loop3A_243 = arith.constant 1.500000e+01 : f32
        %parallel_loop3A_244 = vector.broadcast %parallel_loop3A_243 : f32 to vector<16xf32>
        %parallel_loop3A_245 = arith.mulf %parallel_loop3A_239, %parallel_loop3A_244 : vector<16xf32>
        %parallel_loop3A_246 = arith.constant 0x4B000000 : f32
        %parallel_loop3A_247 = vector.broadcast %parallel_loop3A_246 : f32 to vector<16xf32>
        %parallel_loop3A_248 = arith.addf %parallel_loop3A_245, %parallel_loop3A_247 : vector<16xf32>
        %parallel_loop3A_249 = vector.bitcast %parallel_loop3A_248 : vector<16xf32> to vector<16xi32>
        %parallel_loop3A_250 = arith.constant 1258291200 : i32
        %parallel_loop3A_251 = vector.broadcast %parallel_loop3A_250 : i32 to vector<16xi32>
        %parallel_loop3A_252 = arith.subi %parallel_loop3A_249, %parallel_loop3A_251 : vector<16xi32>
        %parallel_loop3A_253 = tpu.vector_load_idx %arg6[%parallel_loop3A_252] : memref<16xf32, #tpu.memory_space<vmem>>[vector<16xi32>], vector<16xf32>,
        %parallel_loop3A_254 = arith.cmpf ole, %parallel_loop3A_239, %parallel_loop3A_253 : vector<16xf32>
        %parallel_loop3A_255 = arith.select %parallel_loop3A_254, %sub3A_139, %add3A_128 : vector<16xi1>, vector<16xi32>
        %parallel_loop3A_256 = arith.constant 16 : i32
        %parallel_loop3A_257 = vector.broadcast %parallel_loop3A_256 : i32 to vector<16xi32>
        %parallel_loop3A_258 = arith.muli %parallel_loop3A_252, %parallel_loop3A_257 : vector<16xi32>
        %parallel_loop3A_259 = arith.addi %parallel_loop3A_258, %parallel_loop3A_255 : vector<16xi32>
        %parallel_loop3A_260 = arith.constant 240 : i32
        %parallel_loop3A_261 = vector.broadcast %parallel_loop3A_260 : i32 to vector<16xi32>
        %parallel_loop3A_262 = arith.cmpi sge, %parallel_loop3A_259, %parallel_loop3A_261 : vector<16xi32>
        tpu.vector_store_idx %arg7[%parallel_loop3A_259], %parallel_loop3A_242 masked %parallel_loop3A_262 {add = true} : memref<960xf32, #tpu.memory_space<vmem>>[vector<16xi32>], vector<16xf32>, vector<16xi1>
        %parallel_loop3A_263 = arith.constant 2 : i32
        %parallel_loop3A_264 = arith.addi %parallel_loop3A_202, %parallel_loop3A_263 : i32
        %parallel_loop3A_265 = arith.constant 16 : i32
        %parallel_loop3A_266 = arith.muli %parallel_loop3A_264, %parallel_loop3A_265 : i32
        %parallel_loop3A_267 = tpu.assume_multiple %parallel_loop3A_266, 16 : i32
        %parallel_loop3A_268 = arith.index_cast %parallel_loop3A_267 : i32 to index
        %parallel_loop3A_269 = tpu.vector_load %arg11[%parallel_loop3A_268] {strides = array<i32>} : memref<16384xf32, #tpu.memory_space<vmem>>, vector<16xf32>,
        %parallel_loop3A_270 = arith.index_cast %parallel_loop3A_267 : i32 to index
        %parallel_loop3A_271 = tpu.vector_load %arg10[%parallel_loop3A_270] {strides = array<i32>} : memref<16384xf32, #tpu.memory_space<vmem>>, vector<16xf32>,
        %parallel_loop3A_272 = arith.subf %parallel_loop3A_269, %parallel_loop3A_271 : vector<16xf32>
        %parallel_loop3A_273 = arith.constant 1.500000e+01 : f32
        %parallel_loop3A_274 = vector.broadcast %parallel_loop3A_273 : f32 to vector<16xf32>
        %parallel_loop3A_275 = arith.mulf %parallel_loop3A_269, %parallel_loop3A_274 : vector<16xf32>
        %parallel_loop3A_276 = arith.constant 0x4B000000 : f32
        %parallel_loop3A_277 = vector.broadcast %parallel_loop3A_276 : f32 to vector<16xf32>
        %parallel_loop3A_278 = arith.addf %parallel_loop3A_275, %parallel_loop3A_277 : vector<16xf32>
        %parallel_loop3A_279 = vector.bitcast %parallel_loop3A_278 : vector<16xf32> to vector<16xi32>
        %parallel_loop3A_280 = arith.constant 1258291200 : i32
        %parallel_loop3A_281 = vector.broadcast %parallel_loop3A_280 : i32 to vector<16xi32>
        %parallel_loop3A_282 = arith.subi %parallel_loop3A_279, %parallel_loop3A_281 : vector<16xi32>
        %parallel_loop3A_283 = tpu.vector_load_idx %arg6[%parallel_loop3A_282] : memref<16xf32, #tpu.memory_space<vmem>>[vector<16xi32>], vector<16xf32>,
        %parallel_loop3A_284 = arith.cmpf ole, %parallel_loop3A_269, %parallel_loop3A_283 : vector<16xf32>
        %parallel_loop3A_285 = arith.select %parallel_loop3A_284, %sub3A_142, %add3A_131 : vector<16xi1>, vector<16xi32>
        %parallel_loop3A_286 = arith.constant 16 : i32
        %parallel_loop3A_287 = vector.broadcast %parallel_loop3A_286 : i32 to vector<16xi32>
        %parallel_loop3A_288 = arith.muli %parallel_loop3A_282, %parallel_loop3A_287 : vector<16xi32>
        %parallel_loop3A_289 = arith.addi %parallel_loop3A_288, %parallel_loop3A_285 : vector<16xi32>
        %parallel_loop3A_290 = arith.constant 480 : i32
        %parallel_loop3A_291 = vector.broadcast %parallel_loop3A_290 : i32 to vector<16xi32>
        %parallel_loop3A_292 = arith.cmpi sge, %parallel_loop3A_289, %parallel_loop3A_291 : vector<16xi32>
        tpu.vector_store_idx %arg7[%parallel_loop3A_289], %parallel_loop3A_272 masked %parallel_loop3A_292 {add = true} : memref<960xf32, #tpu.memory_space<vmem>>[vector<16xi32>], vector<16xf32>, vector<16xi1>
        %parallel_loop3A_293 = arith.constant 3 : i32
        %parallel_loop3A_294 = arith.addi %parallel_loop3A_202, %parallel_loop3A_293 : i32
        %parallel_loop3A_295 = arith.constant 16 : i32
        %parallel_loop3A_296 = arith.muli %parallel_loop3A_294, %parallel_loop3A_295 : i32
        %parallel_loop3A_297 = tpu.assume_multiple %parallel_loop3A_296, 16 : i32
        %parallel_loop3A_298 = arith.index_cast %parallel_loop3A_297 : i32 to index
        %parallel_loop3A_299 = tpu.vector_load %arg11[%parallel_loop3A_298] {strides = array<i32>} : memref<16384xf32, #tpu.memory_space<vmem>>, vector<16xf32>,
        %parallel_loop3A_300 = arith.index_cast %parallel_loop3A_297 : i32 to index
        %parallel_loop3A_301 = tpu.vector_load %arg10[%parallel_loop3A_300] {strides = array<i32>} : memref<16384xf32, #tpu.memory_space<vmem>>, vector<16xf32>,
        %parallel_loop3A_302 = arith.subf %parallel_loop3A_299, %parallel_loop3A_301 : vector<16xf32>
        %parallel_loop3A_303 = arith.constant 1.500000e+01 : f32
        %parallel_loop3A_304 = vector.broadcast %parallel_loop3A_303 : f32 to vector<16xf32>
        %parallel_loop3A_305 = arith.mulf %parallel_loop3A_299, %parallel_loop3A_304 : vector<16xf32>
        %parallel_loop3A_306 = arith.constant 0x4B000000 : f32
        %parallel_loop3A_307 = vector.broadcast %parallel_loop3A_306 : f32 to vector<16xf32>
        %parallel_loop3A_308 = arith.addf %parallel_loop3A_305, %parallel_loop3A_307 : vector<16xf32>
        %parallel_loop3A_309 = vector.bitcast %parallel_loop3A_308 : vector<16xf32> to vector<16xi32>
        %parallel_loop3A_310 = arith.constant 1258291200 : i32
        %parallel_loop3A_311 = vector.broadcast %parallel_loop3A_310 : i32 to vector<16xi32>
        %parallel_loop3A_312 = arith.subi %parallel_loop3A_309, %parallel_loop3A_311 : vector<16xi32>
        %parallel_loop3A_313 = tpu.vector_load_idx %arg6[%parallel_loop3A_312] : memref<16xf32, #tpu.memory_space<vmem>>[vector<16xi32>], vector<16xf32>,
        %parallel_loop3A_314 = arith.cmpf ole, %parallel_loop3A_299, %parallel_loop3A_313 : vector<16xf32>
        %parallel_loop3A_315 = arith.select %parallel_loop3A_314, %sub3A_145, %add3A_134 : vector<16xi1>, vector<16xi32>
        %parallel_loop3A_316 = arith.constant 16 : i32
        %parallel_loop3A_317 = vector.broadcast %parallel_loop3A_316 : i32 to vector<16xi32>
        %parallel_loop3A_318 = arith.muli %parallel_loop3A_312, %parallel_loop3A_317 : vector<16xi32>
        %parallel_loop3A_319 = arith.addi %parallel_loop3A_318, %parallel_loop3A_315 : vector<16xi32>
        %parallel_loop3A_320 = arith.constant 720 : i32
        %parallel_loop3A_321 = vector.broadcast %parallel_loop3A_320 : i32 to vector<16xi32>
        %parallel_loop3A_322 = arith.cmpi sge, %parallel_loop3A_319, %parallel_loop3A_321 : vector<16xi32>
        tpu.vector_store_idx %arg7[%parallel_loop3A_319], %parallel_loop3A_302 masked %parallel_loop3A_322 {add = true} : memref<960xf32, #tpu.memory_space<vmem>>[vector<16xi32>], vector<16xf32>, vector<16xi1>
      } {sc.loop_unroll_factor = 4 : i64, sc.parallel_access}
      %add3A_195 = arith.constant 2 : i32
      %add3A_196 = arith.addi %add3A_183, %add3A_195 : i32
      %lt3A_197 = arith.constant 32 : i32
      %lt3A_198 = arith.cmpi slt, %add3A_196, %lt3A_197 : i32
      %convert_element_type3A_199 = arith.extui %lt3A_198 : i1 to i32
      %cond3A_200 = arith.constant 0 : i32
      %cond3A_201 = arith.cmpi ne, %convert_element_type3A_199, %cond3A_200 : i32
      scf.if %cond3A_201 {
        %add3A_202 = arith.constant 2 : i32
        %add3A_203 = arith.addi %add3A_183, %add3A_202 : i32
        %mul3A_204 = arith.constant 16384 : i32
        %mul3A_205 = arith.muli %add3A_203, %mul3A_204 : i32
        %add3A_206 = arith.addi %mul3A_2, %mul3A_205 : i32
        %dma_start3A_207 = tpu.memref_slice %arg2[%add3A_206] : memref<16777216xf32, #tpu.memory_space<hbm>> -> memref<16384xf32, #tpu.memory_space<hbm>>
        %dma_start3A_208 = tpu.memref_slice %arg2[%add3A_206] : memref<16777216xf32, #tpu.memory_space<hbm>> -> memref<16384xf32, #tpu.memory_space<hbm>>
        tpu.enqueue_dma source(%dma_start3A_208 : memref<16384xf32, #tpu.memory_space<hbm>>) target(%arg10 : memref<16384xf32, #tpu.memory_space<vmem>>) target_semaphore(%arg13 : memref<!tpu.dma_semaphore, #tpu.memory_space<semaphore_mem>>)
        %dma_start3A_209 = tpu.memref_slice %arg3[%add3A_206] : memref<16777216xf32, #tpu.memory_space<hbm>> -> memref<16384xf32, #tpu.memory_space<hbm>>
        %dma_start3A_210 = tpu.memref_slice %arg3[%add3A_206] : memref<16777216xf32, #tpu.memory_space<hbm>> -> memref<16384xf32, #tpu.memory_space<hbm>>
        tpu.enqueue_dma source(%dma_start3A_210 : memref<16384xf32, #tpu.memory_space<hbm>>) target(%arg11 : memref<16384xf32, #tpu.memory_space<vmem>>) target_semaphore(%arg13 : memref<!tpu.dma_semaphore, #tpu.memory_space<semaphore_mem>>)
      } else {
      }
    }
    %scan3A_161 = arith.constant 16 : i32
    %mul3A_162 = arith.constant 960 : i32
    %mul3A_163 = arith.muli %add3A, %mul3A_162 : i32
    "tpu.region"() ({
      %run_scoped3A = tpu.sem_alloc : memref<!tpu.dma_semaphore, #tpu.memory_space<semaphore_mem>>
      %dma_start3A_164 = tpu.memref_slice %arg5[%mul3A_163] : memref<30720xf32, #tpu.memory_space<hbm>> -> memref<960xf32, #tpu.memory_space<hbm>>
      %dma_start3A_165 = tpu.memref_slice %arg5[%mul3A_163] : memref<30720xf32, #tpu.memory_space<hbm>> -> memref<960xf32, #tpu.memory_space<hbm>>
      tpu.enqueue_dma source(%arg7 : memref<960xf32, #tpu.memory_space<vmem>>) target(%dma_start3A_165 : memref<960xf32, #tpu.memory_space<hbm>>) target_semaphore(%run_scoped3A : memref<!tpu.dma_semaphore, #tpu.memory_space<semaphore_mem>>)
      %dma_wait3A = tpu.memref_slice %arg5[%mul3A_163] : memref<30720xf32, #tpu.memory_space<hbm>> -> memref<960xf32, #tpu.memory_space<hbm>>
      %dma_wait3A_166 = tpu.memref_slice %arg5[%mul3A_163] : memref<30720xf32, #tpu.memory_space<hbm>> -> memref<960xf32, #tpu.memory_space<hbm>>
      tpu.wait_dma2 semaphore(%run_scoped3A : memref<!tpu.dma_semaphore, #tpu.memory_space<semaphore_mem>>) src(%arg7 : memref<960xf32, #tpu.memory_space<vmem>>) dst(%dma_wait3A_166 : memref<960xf32, #tpu.memory_space<hbm>>)
      tpu.yield
    }) : () -> ()
    return
  }
}

module attributes {stable_mosaic.version = 14 : i64} {
  func.func @ck(%arg0: memref<15x2048xf32, #tpu.memory_space<vmem>>, %arg1: memref<1x1xf32, #tpu.memory_space<vmem>>) attributes {dimension_semantics = [], scalar_prefetch = 0 : i64, scratch_operands = 0 : i64, tpu.core_type = #tpu.core_type<tc>} {
    %get3A = arith.constant 0 : index
    %get3A_0 = arith.constant 0 : index
    %get3A_1 = vector.load %arg0[%get3A, %get3A_0] : memref<15x2048xf32, #tpu.memory_space<vmem>>, vector<15x2048xf32>
    %reduce_sum3A = arith.constant dense<0.000000e+00> : vector<15xf32>
    %reduce_sum3A_2 = vector.multi_reduction <add>, %get3A_1, %reduce_sum3A [1] : vector<15x2048xf32> to vector<15xf32>
    %broadcast_in_dim3A = vector.shape_cast %reduce_sum3A_2 : vector<15xf32> to vector<15x1xf32>
    %abs3A = math.absf %broadcast_in_dim3A : vector<15x1xf32>
    %reduce_sum3A_3 = vector.shape_cast %abs3A : vector<15x1xf32> to vector<1x15x1xf32>
    %reduce_sum3A_4 = arith.constant dense<0.000000e+00> : vector<1xf32>
    %reduce_sum3A_5 = vector.multi_reduction <add>, %reduce_sum3A_3, %reduce_sum3A_4 [1, 2] : vector<1x15x1xf32> to vector<1xf32>
    %reduce_sum3A_6 = vector.shape_cast %reduce_sum3A_5 : vector<1xf32> to vector<1x1x1xf32>
    %reduce_sum3A_7 = vector.extract %reduce_sum3A_6[0, 0, 0] : f32 from vector<1x1x1xf32>
    %mul3A = arith.constant 5.96046448E-8 : f32
    %mul3A_8 = arith.mulf %reduce_sum3A_7, %mul3A : f32
    %broadcast_in_dim3A_9 = vector.broadcast %mul3A_8 : f32 to vector<1x1xf32>
    %swap3A = arith.constant 0 : index
    %swap3A_10 = arith.constant 0 : index
    %swap3A_11 = vector.load %arg1[%swap3A, %swap3A_10] : memref<1x1xf32, #tpu.memory_space<vmem>>, vector<1x1xf32>
    tpu.vector_store %arg1[%swap3A, %swap3A_10], %broadcast_in_dim3A_9 {strides = array<i32>} : memref<1x1xf32, #tpu.memory_space<vmem>>, vector<1x1xf32>,
    return
  }
}

</mosaic_0001>

<sc_bundles>
// kernel: kernel.4.cloned.1.call-start
scs
__scs_entry_jumppad:
0x0: {  	(pc) =	sbr.rel $0x88, $3  }
0x1: {  	(tag) =	ssettag $0x0;
	lr =	simm.s32 $0x1  }
0x2: {  	[smem:$0x3F9F] =	sst lr;
	_ =	strace $0xD0000000  }
0x3: {  	_ = 	snop  }
0x4: {  	_ = 	snop  }
0x5: {  	_ = 	snop  }
0x6: {  	_ = 	snop  }
0x7: {  	_ = 	snop  }
__scs_overlays_trampoline_lowered:
0x8: {  	[smem:$0x3FAE] =	sst s0  }
0x9: {  	[smem:$0x3FAF] =	sst s1  }
0xa: {  	[smem:$0x3FB0] =	sst s2  }
0xb: {  	[smem:$0x3FB1] =	sst s3  }
0xc: {  	[smem:$0x3FB2] =	sst s4  }
0xd: {  	[smem:$0x3FB3] =	sst s5  }
0xe: {  	[smem:$0x3FB4] =	sst s6  }
0xf: {  	[smem:$0x3FB5] =	sst s7  }
0x10: {  	[smem:$0x3FB6] =	sst s8  }
0x11: {  	[smem:$0x3FB7] =	sst s9;
	s0 =	simm.s32 @!p0 $0x0  }
0x12: {  	s1 =	sld [smem:$0x3F9D];
	s0 =	simm.s32 @p0 $0x1  }
0x13: {  	[smem:$0x3FB8] =	sst s0;
	s0 =	simm.s32 @!p1 $0x0  }
0x14: {  	s2 =	sld [smem:$0x3F9C];
	s0 =	simm.s32 @p1 $0x1  }
0x15: {  	[smem:$0x3FB9] =	sst s0;
	s0 =	simm.s32 @!p2 $0x0  }
0x16: {  	s3 =	sld [smem:$0x3FDB];
	s0 =	simm.s32 @p2 $0x1  }
0x17: {  	s4 =	simm.s32 $0x1BF5;
	[smem:$0x3FBB] =	sst s0  }
0x18: {  	s0 =	sld [smem:$0x3F9E];
	_ =	swait.ge [sflag:s4], $0x0  }
0x19: {  	s7 =	sld [smem:$0x3F9F]  }
0x1a: {  	s8 =	sadd.s32 $0xFFFFE003, lr  }
0x1b: {  	s9 =	sadd.s32 $0xFFFFFEF7, lr;
	s5 =	simm.s32 $0xFFFFFFFF;
	p2 =	slt.u32 s8, $0xFFFFF086  }
0x1c: {  	p1 =	slt.u32 s9, $0xF7A;
	s5 =	simm.s32 @!p2 $0x0  }
0x1d: {  	s5 =	simm.s32 @p1 $0x1;
	p0 =	seq.s32 s7, s2  }
0x1e: {  	s7 =	smul.u32 @!p0 $0xF7A, s2;
	p2 =	seq.s32 @!p0 s5, $0x0  }
0x1f: {  	s9 =	smul.u32 $0xF7A, s1;
	s8 =	simm.s32 @!p0 $0x1BF5;
	p2 =	por !p2, p0  }
0x20: {  	[sflag:s8] =	ssyncset.s32 @!p0 $0xFFFFF086;
	s6 =	sadd.s32 @!p0 s3, s7;
	s7 =	simm.s32 @!p0 $0x108  }
0x21: {  	s3 =	sadd.s32 s3, s9;
	s6 =	sadd.s32 @!p0 $0x88, s6;
	s7 =	simm.s32 @p2 $0x1082  }
0x22: {  	[simem:s7], [sflag:s8] =	dma.local @!p0 [hbm:s6], $0xF7A  }
0x23: {  	s9 =	sor.u32 $0xD0000000, s2;
	s6 =	simm.s32 $0x108;
	_ =	swait.ge @!p0 [sflag:s8], $0x0  }
0x24: {  	s3 =	sadd.s32 $0x88, s3;
	s6 =	simm.s32 @!p1 $0x1082;
	[sflag:s4] =	ssyncset.s32 $0xFFFFF086  }
0x25: {  	[simem:s6], [sflag:s4] =	dma.local [hbm:s3], $0xF7A  }
0x26: {  	[smem:$0x3F9F] =	sst s1;
	(tag) =	ssettag s2;
	_ =	strace s9  }
0x27: {  	s1 =	sld [smem:$0x3FAF]  }
0x28: {  	s2 =	sld [smem:$0x3FB0]  }
0x29: {  	s4 =	sld [smem:$0x3FB2]  }
0x2a: {  	p0 =	seq.s32 s5, $0x0;
	s5 =	sld [smem:$0x3FB3]  }
0x2b: {  	s6 =	sld [smem:$0x3FB4]  }
0x2c: {  	s7 =	sld [smem:$0x3FB5]  }
0x2d: {  	s3 =	simm.s32 $0x108;
	s8 =	sld [smem:$0x3FB6]  }
0x2e: {  	s3 =	simm.s32 @!p0 $0x1082;
	s9 =	sld [smem:$0x3FB7]  }
0x2f: {  	lr =	sadd.s32 s0, s3;
	s0 =	sld [smem:$0x3FAE]  }
0x30: {  	s3 =	sld [smem:$0x3FB1]  }
0x31: {  	[smem:$0x3FBA] =	sst s10  }
0x32: {  	s10 =	sld [smem:$0x3FB8];
	_ =	sdelay $0x3  }
0x33: {  	p0 =	seq.s32 s10, $0x1;
	s10 =	sld [smem:$0x3FBA];
	_ =	sdelay $0x3  }
0x34: {  	[smem:$0x3FBA] =	sst s10  }
0x35: {  	s10 =	sld [smem:$0x3FB9];
	_ =	sdelay $0x3  }
0x36: {  	p1 =	seq.s32 s10, $0x1;
	s10 =	sld [smem:$0x3FBA];
	_ =	sdelay $0x3  }
0x37: {  	[smem:$0x3FBA] =	sst s10  }
0x38: {  	s10 =	sld [smem:$0x3FBB]  }
0x39: {  	_ = 	snop;
	(pc) =	sbr.ind lr, $3  }
0x3a: {  	_ = 	snop  }
0x3b: {  	_ = 	snop  }
0x3c: {  	p2 =	seq.s32 s10, $0x1;
	s10 =	sld [smem:$0x3FBA]  }
0x3d: {  	_ =	shalt  }
0x3e: {  	_ =	shalt  }
0x3f: {  	_ =	shalt  }
0x40: {  	_ =	shalt  }
0x41: {  	_ =	shalt  }
0x42: {  	_ =	shalt  }
0x43: {  	_ =	shalt  }
0x44: {  	_ =	shalt  }
0x45: {  	_ =	shalt  }
0x46: {  	_ =	shalt  }
0x47: {  	_ =	shalt  }
0x48: {  	_ =	shalt  }
0x49: {  	_ =	shalt  }
0x4a: {  	_ =	shalt  }
0x4b: {  	_ =	shalt  }
0x4c: {  	_ =	shalt  }
0x4d: {  	_ =	shalt  }
0x4e: {  	_ =	shalt  }
0x4f: {  	_ =	shalt  }
0x50: {  	_ =	shalt  }
0x51: {  	_ =	shalt  }
0x52: {  	_ =	shalt  }
0x53: {  	_ =	shalt  }
0x54: {  	_ =	shalt  }
0x55: {  	_ =	shalt  }
0x56: {  	_ =	shalt  }
0x57: {  	_ =	shalt  }
0x58: {  	_ =	shalt  }
0x59: {  	_ =	shalt  }
0x5a: {  	_ =	shalt  }
0x5b: {  	_ =	shalt  }
0x5c: {  	_ =	shalt  }
0x5d: {  	_ =	shalt  }
0x5e: {  	_ =	shalt  }
0x5f: {  	_ =	shalt  }
0x60: {  	_ =	shalt  }
0x61: {  	_ =	shalt  }
0x62: {  	_ =	shalt  }
0x63: {  	_ =	shalt  }
0x64: {  	_ =	shalt  }
0x65: {  	_ =	shalt  }
0x66: {  	_ =	shalt  }
0x67: {  	_ =	shalt  }
0x68: {  	_ =	shalt  }
0x69: {  	_ =	shalt  }
0x6a: {  	_ =	shalt  }
0x6b: {  	_ =	shalt  }
0x6c: {  	_ =	shalt  }
0x6d: {  	_ =	shalt  }
0x6e: {  	_ =	shalt  }
0x6f: {  	_ =	shalt  }
0x70: {  	_ =	shalt  }
0x71: {  	_ =	shalt  }
0x72: {  	_ =	shalt  }
0x73: {  	_ =	shalt  }
0x74: {  	_ =	shalt  }
0x75: {  	_ =	shalt  }
0x76: {  	_ =	shalt  }
0x77: {  	_ =	shalt  }
0x78: {  	_ =	shalt  }
0x79: {  	_ =	shalt  }
0x7a: {  	_ =	shalt  }
0x7b: {  	_ =	shalt  }
0x7c: {  	_ =	shalt  }
0x7d: {  	_ =	shalt  }
0x7e: {  	_ =	shalt  }
0x7f: {  	_ =	shalt  }
0x80: {  	_ =	shalt  }
0x81: {  	_ =	shalt  }
0x82: {  	_ =	shalt  }
0x83: {  	_ =	shalt  }
0x84: {  	_ =	shalt  }
0x85: {  	_ =	shalt  }
0x86: {  	_ =	shalt  }
0x87: {  	_ =	shalt  }
.Lfunc_end0:
.L_simem_size_0:
called_computation_lowered:
.L_overlay_start_0:
0x88: {  	s2 =	sld [smem:$0x3FD9]  }
0x89: {  	s3 =	sld [smem:$0x3FFE];
	_ =	sdelay $0x1  }
0x8a: {  	s1 =	srdreg.scid  }
0x8b: {  	s0 =	sand.u32 $0x1, s1  }
0x8c: {  	s17 =	sshll.u32 s0, $0xA;
	s2 =	sadd.s32 s3, s2  }
0x8d: {  	s2 =	sadd.s32 s2, s17  }
0x8e: {  	[smem:$0x3FC6] =	sst s2  }
0x8f: {  	_ = 	snop  }
0x90: {  	s2 =	sld [smem:$0x3FC9]  }
0x91: {  	s18 =	sld [smem:$0x3FC8]  }
0x92: {  	s4 =	sld [smem:$0x3FD0];
	(tm) =	ssettm $0x1  }
0x93: {  	s5 =	sld [smem:$0x3FFB];
	_ =	sdelay $0x3  }
0x94: {  	_ =	strace s5  }
0x95: {  	s5 =	sld [smem:$0x3FFC];
	_ =	sdelay $0x3  }
0x96: {  	_ =	strace s5  }
0x97: {  	s5 =	sld [smem:$0x3FFD];
	_ =	sdelay $0x3  }
0x98: {  	_ =	strace s5  }
0x99: {  	_ =	strace $0x8FFFFFFF  }
0x9a: {  	s19 =	sld [smem:$0x3FDB];
	_ =	sdelay $0x1  }
0x9b: {  	s6 =	simm.s32 $_scs_section_size  }
0x9c: {  	s7 =	simm.s32 $_size__tile_overlayer_lowered;
	s8 =	simm.s32 $_tile_overlayer_lowered  }
0x9d: {  	s22 =	simm.s32 $0x1BFF;
	s21 =	sshll.u32 s8, $0x1;
	s5 =	sadd.s32 s6, s19  }
0x9e: {  	s9 =	simm.s32 $0x0;
	s20 =	sshll.u32 s7, $0x1;
	s7 =	sadd.s32 s21, s5  }
0x9f: {  	[timem:s9], [sflag:s22] =	dma.local [hbm:s7], s20  }
0xa0: {  	_ =	swait.ge [sflag:s22], s20  }
0xa1: {  	s6 =	ssub.s32 $0x0, s20;
	[sflag:s22] =	ssyncset.done $0x0  }
0xa2: {  	[sflag:s22] =	ssyncadd.s32 s6;
	_ =	sdelay $0x1  }
0xa3: {  	s23 =	simm.s32 $0x1B8B  }
0xa4: {  	_ =	swait.ge [sflag:s23], $0x1  }
0xa5: {  	[sflag:s23] =	ssyncset.done $0x0  }
0xa6: {  	s25 =	simm.s32 $0x1B8E;
	s24 =	sld [smem:$0x3FFE];
	[sflag:s23] =	ssyncadd.s32 $0xFFFFFFFF  }
0xa7: {  	s26 =	simm.s32 $execute0_lowered;
	[smem:$0x3FD2] =	sst s25  }
0xa8: {  	s7 =	sshll.u32 s26, $0x1;
	_ =	strace $0x80000046;
	[dreg:$0x1] =	wrdreg $0xFFFFFFFF  }
0xa9: {  	s28 =	simm.s32 $_size_execute0_lowered;
	s5 =	sadd.s32 s5, s7;
	[dreg:$0x0] =	wrdreg $0x0  }
0xaa: {  	s7 =	sshll.u32 s28, $0x1;
	[dreg:$0x2] =	wrdreg s5  }
0xab: {  	[dreg:$0x3] =	wrdreg s7  }
0xac: {  	[dreg:$0x4] =	wrdreg $0xC0  }
0xad: {  	_ =	task [dreg:s9], $0x5FFFF  }
0xae: {  	[dreg:$0x1] =	wrdreg $0xFFFFFFFF  }
0xaf: {  	[dreg:$0x0] =	wrdreg $0x60  }
0xb0: {  	[dreg:$0x2] =	wrdreg s2  }
0xb1: {  	[dreg:$0x3] =	wrdreg s18  }
0xb2: {  	[dreg:$0x4] =	wrdreg s4  }
0xb3: {  	[dreg:$0x5] =	wrdreg s24  }
0xb4: {  	[dreg:$0x6] =	wrdreg $0x9  }
0xb5: {  	_ =	task.clear_ibuf [dreg:s9], $0x7FFFF;
	_ =	strace $0x90000046  }
0xb6: {  	s29 =	simm.s32 $0x9;
	_ =	strace $0x80000048  }
0xb7: {  	_ =	swait.ge [sflag:s29], $0x1  }
0xb8: {  	[sflag:s29] =	ssyncadd.s32 $0xFFFFFFFF  }
0xb9: {  	_ =	strace $0x90000048  }
0xba: {  	_ =	sfence  }
0xbb: {  	s30 =	sld [smem:$0x0];
	_ =	sdelay $0x2  }
0xbc: {  	s31 =	sshll.u32 s1, $0xD;
	s1 =	sshrl.u32 s1, $0x2  }
0xbd: {  	s3 =	sand.u32 $0x4000, s31;
	s1 =	sadd.s32 s1, s30  }
0xbe: {  	s0 =	sor.u32 s3, s0;
	s1 =	sshll.u32 s1, $0x11  }
0xbf: {  	s0 =	sor.u32 s1, s0  }
0xc0: {  	s0 =	sadd.s32 $0x8F2B, s0  }
0xc1: {  	[sflag:s0] =	ssyncadd.remote.s32 $0x1  }
0xc2: {  	_ =	sfence.sel $0xFFFF  }
0xc3: {  	[dreg:$0x0] =	wrdreg $0xFFFFFFFF;
	(pc) =	sbr.abs _section_cstart, $3  }
0xc4: {  	[dreg:$0x1] =	wrdreg $0xFFFFFFFF  }
0xc5: {  	_ =	task.clear_ibuf [dreg:s9], $0x2FFFF;
	_ =	strace $0x9FFFFFFF  }
0xc6: {  	(tm) =	ssettm $0x7FFFFFFF  }
0xc7: {  	_ =	shalt  }
tec
execute0_lowered:
.L_overlay_start_1:
0x0: {  	(tag) =	ssettag $0x1  }
0x1: {  	s1 =	rddreg [dreg:$0x0]  }
0x2: {  	s2 =	rddreg [dreg:$0x1]  }
0x3: {  	s3 =	srdreg.scid;
	s4 =	rddreg [dreg:$0x2]  }
0x4: {  	s0 =	stileid.u32;
	s7 =	rddreg [dreg:$0x3]  }
0x5: {  	s5 =	simm.s32 $0x0;
	s14 =	simm.s32 $0x3;
	s15 =	simm.s32 $0x480  }
0x6: {  	s16 =	simm.s32 $0x4480;
	s17 =	simm.s32 $0x8480;
	s18 =	simm.s32 $0xC480  }
0x7: {  	s19 =	simm.s32 $0x1;
	s20 =	simm.s32 $0x80;
	s21 =	simm.s32 $0x2  }
0x8: {  	s22 =	simm.s32 $0x0;
	s6 =	sand.u32 $0x1, s3;
	s29 =	sshll.u32 s0, $0x1  }
0x9: {  	s3 =	rddreg [dreg:$0x4];
	s8 =	sor.u32 s6, s29;
	s6 =	ssub.s32 $0x2, s6  }
0xa: {  	[smem:$0x7FF] =	sst s5;
	s9 =	smul.u32 $0x78, s8;
	s30 =	sshrl.u32 s6, $0x1  }
.Ltmp0:
0xb: {  	s11 =	sshll.u32 s8, $0x13;
	s8 =	sshll.u32 s8, $0x10;
	(pc) =	sbr.rel .LBB2_1-.Ltmp0, $4  }
0xc: {  	v0 =	vlaneseq.u32;
	_ =	strace $0x80000047;
	s13 =	ssub.s32 s6, s30;
	s6 =	sadd.s32 s1, s8  }
0xd: {  	v1 =	vimm.f32 $0.0e+00;
	v2 =	vor.u32 $0xFFFFFFF0, v0;
	s31 =	sor.u32 $0x800, s8;
	s10 =	sor.u32 $0x8000, s11;
	s11 =	sor.u32 $0xC000, s11  }
0xe: {  	v3 =	vor.u32 $0xF0, v0;
	v4 =	vor.u32 $0xE0, v0;
	v5 =	vor.u32 $0x1E0, v0;
	s12 =	sadd.s32 s9, s7;
	s7 =	sadd.s32 s2, s8;
	s8 =	sadd.s32 s1, s31  }
0xf: {  	v6 =	vor.u32 $0x1D0, v0;
	v7 =	vor.u32 $0x2D0, v0;
	v8 =	vor.u32 $0x2C0, v0;
	s9 =	sadd.s32 s2, s31;
	s13 =	smax.u32 s13, $0x1;
	s12 =	sadd.s32 $0x400, s12  }
.LBB2_8:
0x10: {  	s22 =	sadd.s32 $0x1, s22  }
0x11: {  	p0 =	sne.s32 s22, s13  }
.Ltmp1:
0x12: {  	_ = 	snop;
	(pc) =	sbr.rel @!p0 .LBB2_9-.Ltmp1, $4  }
0x13: {  	[hbm4b:s12+s5] =	stream.linear.scatter [tilespmem:s20], [sflag:$0x3], $0x3C0, $0x38;
	[tilespmem:$0x10480] =	vst v63  }
0x14: {  	_ =	swait.ge [sflag:s14], $0x3C0  }
0x15: {  	[sflag:s14] =	ssyncset.done $0x0  }
0x16: {  	[sflag:s14] =	ssyncadd.s32 $0xFFFFFC40  }
.LBB2_1:
0x17: {  	[tilespmem:s5], [sflag:$0x3] =	stream.linear.gather [hbm4b:s4+s5], $0x80, $0x38;
	[tilespmem:$0x10480] =	vst v63  }
0x18: {  	_ =	swait.ge [sflag:s14], $0x80  }
0x19: {  	[sflag:s14] =	ssyncset.done $0x0  }
0x1a: {  	[sflag:s14] =	ssyncadd.s32 $0xFFFFFF80  }
0x1b: {  	[tilespmem:$0x80] =	vst v1  }
0x1c: {  	[tilespmem:$0x90] =	vst v1  }
0x1d: {  	[tilespmem:$0xA0] =	vst v1  }
0x1e: {  	[tilespmem:$0xB0] =	vst v1  }
0x1f: {  	[tilespmem:$0xC0] =	vst v1  }
0x20: {  	[tilespmem:$0xD0] =	vst v1  }
0x21: {  	[tilespmem:$0xE0] =	vst v1  }
0x22: {  	[tilespmem:$0xF0] =	vst v1  }
0x23: {  	[tilespmem:$0x100] =	vst v1  }
0x24: {  	[tilespmem:$0x110] =	vst v1  }
0x25: {  	[tilespmem:$0x120] =	vst v1  }
0x26: {  	[tilespmem:$0x130] =	vst v1  }
0x27: {  	[tilespmem:$0x140] =	vst v1  }
0x28: {  	[tilespmem:$0x150] =	vst v1  }
0x29: {  	[tilespmem:$0x160] =	vst v1  }
0x2a: {  	[tilespmem:$0x170] =	vst v1  }
0x2b: {  	[tilespmem:$0x180] =	vst v1  }
0x2c: {  	[tilespmem:$0x190] =	vst v1  }
0x2d: {  	[tilespmem:$0x1A0] =	vst v1  }
0x2e: {  	[tilespmem:$0x1B0] =	vst v1  }
0x2f: {  	[tilespmem:$0x1C0] =	vst v1  }
0x30: {  	[tilespmem:$0x1D0] =	vst v1  }
0x31: {  	[tilespmem:$0x1E0] =	vst v1  }
0x32: {  	[tilespmem:$0x1F0] =	vst v1  }
0x33: {  	[tilespmem:$0x200] =	vst v1  }
0x34: {  	[tilespmem:$0x210] =	vst v1  }
0x35: {  	[tilespmem:$0x220] =	vst v1  }
0x36: {  	[tilespmem:$0x230] =	vst v1  }
0x37: {  	[tilespmem:$0x240] =	vst v1  }
0x38: {  	[tilespmem:$0x250] =	vst v1  }
0x39: {  	[tilespmem:$0x260] =	vst v1  }
0x3a: {  	[tilespmem:$0x270] =	vst v1  }
0x3b: {  	[tilespmem:$0x280] =	vst v1  }
0x3c: {  	[tilespmem:$0x290] =	vst v1  }
0x3d: {  	[tilespmem:$0x2A0] =	vst v1  }
0x3e: {  	[tilespmem:$0x2B0] =	vst v1  }
0x3f: {  	[tilespmem:$0x2C0] =	vst v1  }
0x40: {  	[tilespmem:$0x2D0] =	vst v1  }
0x41: {  	[tilespmem:$0x2E0] =	vst v1  }
0x42: {  	[tilespmem:$0x2F0] =	vst v1  }
0x43: {  	[tilespmem:$0x300] =	vst v1  }
0x44: {  	[tilespmem:$0x310] =	vst v1  }
0x45: {  	[tilespmem:$0x320] =	vst v1  }
0x46: {  	[tilespmem:$0x330] =	vst v1  }
0x47: {  	[tilespmem:$0x340] =	vst v1  }
0x48: {  	[tilespmem:$0x350] =	vst v1  }
0x49: {  	[tilespmem:$0x360] =	vst v1  }
0x4a: {  	[tilespmem:$0x370] =	vst v1  }
0x4b: {  	[tilespmem:$0x380] =	vst v1  }
0x4c: {  	[tilespmem:$0x390] =	vst v1  }
0x4d: {  	[tilespmem:$0x3A0] =	vst v1  }
0x4e: {  	[tilespmem:$0x3B0] =	vst v1  }
0x4f: {  	[tilespmem:$0x3C0] =	vst v1  }
0x50: {  	[tilespmem:$0x3D0] =	vst v1  }
0x51: {  	[tilespmem:$0x3E0] =	vst v1  }
0x52: {  	[tilespmem:$0x3F0] =	vst v1  }
0x53: {  	[tilespmem:$0x400] =	vst v1  }
0x54: {  	[tilespmem:$0x410] =	vst v1  }
0x55: {  	[tilespmem:$0x420] =	vst v1  }
0x56: {  	[tilespmem:$0x430] =	vst v1  }
0x57: {  	[tilespmem:s15], [sflag:$0x1] =	stream.linear.gather [hbm4b:s6+s5], $0x4000, $0x38;
	[tilespmem:$0x10480] =	vst v63  }
0x58: {  	_ = 	snop  }
0x59: {  	[tilespmem:s16], [sflag:$0x1] =	stream.linear.gather [hbm4b:s7+s5], $0x4000, $0x38;
	[tilespmem:$0x10480] =	vst v63  }
0x5a: {  	_ = 	snop  }
0x5b: {  	[tilespmem:s17], [sflag:$0x2] =	stream.linear.gather [hbm4b:s8+s5], $0x4000, $0x38;
	[tilespmem:$0x10480] =	vst v63  }
0x5c: {  	s23 =	simm.s32 $0x0  }
0x5d: {  	[tilespmem:s18], [sflag:$0x2] =	stream.linear.gather [hbm4b:s9+s5], $0x4000, $0x38;
	[tilespmem:$0x10480] =	vst v63  }
.LBB2_2:
0x5e: {  	_ =	swait.ge [sflag:s19], $0x4000  }
0x5f: {  	[sflag:s19] =	ssyncset.done $0x0  }
0x60: {  	[sflag:s19] =	ssyncadd.s32 $0xFFFFC000  }
0x61: {  	_ =	swait.ge [sflag:s19], $0x4000  }
0x62: {  	[sflag:s19] =	ssyncset.done $0x0  }
0x63: {  	s28 =	simm.s32 $0x4500;
	[sflag:s19] =	ssyncadd.s32 $0xFFFFC000  }
0x64: {  	v9 =	vld [tilespmem:s28+$0xFFFFFF80];
	_ =	sdelay $0x4  }
0x65: {  	v10 =	vmul.f32 $1.500000000e+01, v9;
	_ =	sdelay $0x1  }
0x66: {  	v10 =	vadd.f32 $8.388608000e+06, v10  }
0x67: {  	v11 =	vld [tilespmem:s28+$0x40]  }
0x68: {  	v12 =	vld [tilespmem:s28+$0x0];
	v10 =	vadd.s32 $0xB5000000, v10  }
0x69: {  	v13 =	vld [tilespmem:s28+$0xFFFFFFC0];
	_ =	sdelay $0x2  }
0x6a: {  	v14 =	vmul.f32 $1.500000000e+01, v11  }
0x6b: {  	v15 =	vmul.f32 $1.500000000e+01, v12;
	v16 =	vld.idx.msk [tilespmem:v10+s5+$0x0], $0xffff  }
0x6c: {  	v17 =	vmul.f32 $1.500000000e+01, v13;
	v14 =	vadd.f32 $8.388608000e+06, v14  }
0x6d: {  	v15 =	vadd.f32 $8.388608000e+06, v15  }
0x6e: {  	v17 =	vadd.f32 $8.388608000e+06, v17;
	v14 =	vadd.s32 $0xB5000000, v14  }
0x6f: {  	v15 =	vadd.s32 $0xB5000000, v15  }
0x70: {  	v17 =	vadd.s32 $0xB5000000, v17;
	vm0 =	vle.f32 v9, v16  }
0x71: {  	s26 =	simm.s32 $0x500;
	v10 =	vshll.u32 v10, $0x4;
	v16 =	vsel vm0, v2, v0  }
0x72: {  	v18 =	vld [tilespmem:s26+$0xFFFFFF80];
	v10 =	vadd.s32 v16, v10  }
0x73: {  	v16 =	vld.idx.msk [tilespmem:v14+s5+$0x0], $0xffff;
	vm0 =	vgt.s32 v10, $0xFFFFFFFF  }
0x74: {  	v19 =	vld.idx.msk [tilespmem:v15+s5+$0x0], $0xffff  }
0x75: {  	v20 =	vld.idx.msk [tilespmem:v17+s5+$0x0], $0xffff;
	_ =	sdelay $0x1  }
0x76: {  	v9 =	vsub.f32 v9, v18  }
0x77: {  	v17 =	vshll.u32 v17, $0x4;
	v15 =	vshll.u32 v15, $0x4;
	vm1 =	vle.f32 v11, v16;
	v16 =	vld [tilespmem:s26+$0x40]  }
0x78: {  	vm2 =	vle.f32 v12, v19;
	v14 =	vshll.u32 v14, $0x4;
	v18 =	vsel vm1, v2, v0;
	[tilespmem:v10+s20+$0x0] =	vst.idx.add.f32.msk vm0, v9  }
0x79: {  	vm0 =	vle.f32 v13, v20;
	v9 =	vsel vm2, v2, v0;
	v10 =	vadd.s32 v18, v14;
	v14 =	vld [tilespmem:s28+$0xFFFFFF90]  }
0x7a: {  	v18 =	vld [tilespmem:s26+$0x0];
	v19 =	vsel vm0, v2, v0;
	v9 =	vadd.s32 v9, v15;
	vm0 =	vgt.s32 v10, $0xFFFFFFFF  }
0x7b: {  	v15 =	vld [tilespmem:s26+$0xFFFFFFC0];
	v17 =	vadd.s32 v19, v17;
	vm1 =	vgt.s32 v9, $0xFFFFFFFF  }
0x7c: {  	vm2 =	vgt.s32 v17, $0xFFFFFFFF;
	_ =	sdelay $0x1  }
0x7d: {  	v11 =	vsub.f32 v11, v16;
	v16 =	vmul.f32 $1.500000000e+01, v14  }
0x7e: {  	v12 =	vsub.f32 v12, v18  }
0x7f: {  	v13 =	vsub.f32 v13, v15;
	[tilespmem:v10+s20+$0x0] =	vst.idx.add.f32.msk vm0, v11;
	v10 =	vadd.f32 $8.388608000e+06, v16  }
0x80: {  	[tilespmem:v9+s20+$0x0] =	vst.idx.add.f32.msk vm1, v12  }
0x81: {  	[tilespmem:v17+s20+$0x0] =	vst.idx.add.f32.msk vm2, v13;
	v9 =	vadd.s32 $0xB5000000, v10  }
0x82: {  	v10 =	vld [tilespmem:s28+$0x10]  }
0x83: {  	v11 =	vld [tilespmem:s28+$0xFFFFFFD0]  }
0x84: {  	v12 =	vld [tilespmem:s28+$0x50];
	_ =	sdelay $0x1  }
0x85: {  	v13 =	vld.idx.msk [tilespmem:v9+s5+$0x0], $0xffff  }
0x86: {  	v15 =	vmul.f32 $1.500000000e+01, v10  }
0x87: {  	v16 =	vmul.f32 $1.500000000e+01, v11  }
0x88: {  	v17 =	vmul.f32 $1.500000000e+01, v12;
	v15 =	vadd.f32 $8.388608000e+06, v15  }
0x89: {  	v16 =	vadd.f32 $8.388608000e+06, v16  }
0x8a: {  	v17 =	vadd.f32 $8.388608000e+06, v17;
	v15 =	vadd.s32 $0xB5000000, v15;
	vm0 =	vle.f32 v14, v13  }
0x8b: {  	v9 =	vshll.u32 v9, $0x4;
	v13 =	vadd.s32 $0xB5000000, v16;
	v16 =	vsel vm0, v4, v3  }
0x8c: {  	v18 =	vld [tilespmem:s26+$0xFFFFFF90];
	v9 =	vadd.s32 v16, v9  }
0x8d: {  	v16 =	vadd.s32 $0xB5000000, v17;
	vm0 =	vgt.s32 v9, $0xEF;
	_ =	sdelay $0x1  }
0x8e: {  	v17 =	vld.idx.msk [tilespmem:v15+s5+$0x0], $0xffff  }
0x8f: {  	v19 =	vld.idx.msk [tilespmem:v13+s5+$0x0], $0xffff  }
0x90: {  	v14 =	vsub.f32 v14, v18  }
0x91: {  	v18 =	vld.idx.msk [tilespmem:v16+s5+$0x0], $0xffff  }
0x92: {  	[tilespmem:v9+s20+$0x0] =	vst.idx.add.f32.msk vm0, v14  }
0x93: {  	vm0 =	vle.f32 v10, v17;
	v17 =	vld [tilespmem:s26+$0x10]  }
0x94: {  	s25 =	simm.s32 $0x4600;
	v14 =	vshll.u32 v15, $0x4;
	v9 =	vld [tilespmem:s28+$0xFFFFFFA0];
	vm1 =	vle.f32 v11, v19;
	v15 =	vsel vm0, v4, v3  }
0x95: {  	v13 =	vshll.u32 v13, $0x4;
	v19 =	vsel vm1, v4, v3;
	v14 =	vadd.s32 v15, v14;
	v15 =	vld [tilespmem:s25+$0xFFFFFF80]  }
0x96: {  	v20 =	vld [tilespmem:s26+$0xFFFFFFD0];
	v13 =	vadd.s32 v19, v13;
	vm0 =	vgt.s32 v14, $0xEF  }
0x97: {  	vm2 =	vle.f32 v12, v18;
	vm1 =	vgt.s32 v13, $0xEF  }
0x98: {  	v22 =	vld [tilespmem:s25+$0xFFFFFFC0];
	v16 =	vshll.u32 v16, $0x4;
	v19 =	vsel vm2, v4, v3  }
0x99: {  	v18 =	vld [tilespmem:s26+$0x50];
	v16 =	vadd.s32 v19, v16;
	v21 =	vmul.f32 $1.500000000e+01, v9  }
0x9a: {  	v19 =	vld [tilespmem:s25+$0x40];
	v10 =	vsub.f32 v10, v17;
	vm2 =	vgt.s32 v16, $0xEF;
	v17 =	vmul.f32 $1.500000000e+01, v15  }
0x9b: {  	v11 =	vsub.f32 v11, v20;
	v20 =	vld [tilespmem:s25+$0x0];
	v21 =	vadd.f32 $8.388608000e+06, v21  }
0x9c: {  	[tilespmem:v14+s20+$0x0] =	vst.idx.add.f32.msk vm0, v10;
	v10 =	vadd.f32 $8.388608000e+06, v17  }
0x9d: {  	v14 =	vadd.s32 $0xB5000000, v21;
	[tilespmem:v13+s20+$0x0] =	vst.idx.add.f32.msk vm1, v11  }
0x9e: {  	v12 =	vsub.f32 v12, v18;
	v17 =	vld [tilespmem:s28+$0x20];
	v10 =	vadd.s32 $0xB5000000, v10  }
0x9f: {  	v13 =	vmul.f32 $1.500000000e+01, v19;
	v11 =	vld [tilespmem:s28+$0xFFFFFFE0]  }
0xa0: {  	v18 =	vmul.f32 $1.500000000e+01, v20;
	[tilespmem:v16+s20+$0x0] =	vst.idx.add.f32.msk vm2, v12  }
0xa1: {  	v13 =	vadd.f32 $8.388608000e+06, v13;
	v25 =	vld [tilespmem:s28+$0x60]  }
0xa2: {  	v18 =	vadd.f32 $8.388608000e+06, v18;
	v12 =	vmul.f32 $1.500000000e+01, v22;
	v16 =	vld.idx.msk [tilespmem:v14+s5+$0x0], $0xffff  }
0xa3: {  	s24 =	simm.s32 $0x600;
	v13 =	vadd.s32 $0xB5000000, v13;
	v21 =	vld.idx.msk [tilespmem:v10+s5+$0x0], $0xffff  }
0xa4: {  	v28 =	vld [tilespmem:s24+$0xFFFFFF80];
	v18 =	vadd.s32 $0xB5000000, v18;
	v12 =	vadd.f32 $8.388608000e+06, v12;
	v23 =	vmul.f32 $1.500000000e+01, v11  }
0xa5: {  	v27 =	vld [tilespmem:s26+$0xFFFFFFA0];
	v24 =	vmul.f32 $1.500000000e+01, v17;
	v14 =	vshll.u32 v14, $0x4  }
0xa6: {  	v34 =	vld [tilespmem:s24+$0x40];
	v12 =	vadd.s32 $0xB5000000, v12;
	v10 =	vshll.u32 v10, $0x4;
	v23 =	vadd.f32 $8.388608000e+06, v23  }
0xa7: {  	v26 =	vld [tilespmem:s26+$0x60];
	v24 =	vadd.f32 $8.388608000e+06, v24;
	v30 =	vmul.f32 $1.500000000e+01, v25;
	vm0 =	vle.f32 v9, v16  }
0xa8: {  	v16 =	vadd.s32 $0xB5000000, v23;
	v23 =	vld.idx.msk [tilespmem:v13+s5+$0x0], $0xffff;
	v29 =	vsel vm0, v6, v5;
	vm0 =	vle.f32 v15, v21  }
0xa9: {  	v24 =	vadd.s32 $0xB5000000, v24;
	v21 =	vld.idx.msk [tilespmem:v18+s5+$0x0], $0xffff;
	v31 =	vsel vm0, v2, v0;
	v14 =	vadd.s32 v29, v14  }
0xaa: {  	v9 =	vsub.f32 v9, v27;
	v27 =	vld [tilespmem:s24+$0x0];
	v10 =	vadd.s32 v31, v10;
	vm0 =	vgt.s32 v14, $0x1DF  }
0xab: {  	v30 =	vadd.f32 $8.388608000e+06, v30;
	v32 =	vld.idx.msk [tilespmem:v12+s5+$0x0], $0xffff;
	vm1 =	vgt.s32 v10, $0xFFFFFFFF  }
0xac: {  	v29 =	vld [tilespmem:s24+$0xFFFFFFC0]  }
0xad: {  	v13 =	vshll.u32 v13, $0x4;
	v31 =	vld.idx.msk [tilespmem:v16+s5+$0x0], $0xffff;
	vm2 =	vle.f32 v19, v23;
	v23 =	vadd.s32 $0xB5000000, v30  }
0xae: {  	v15 =	vsub.f32 v15, v28;
	v28 =	vld.idx.msk [tilespmem:v24+s5+$0x0], $0xffff;
	vm3 =	vle.f32 v20, v21;
	v21 =	vsel vm2, v2, v0  }
0xaf: {  	v18 =	vshll.u32 v18, $0x4;
	v30 =	vld [tilespmem:s26+$0x20];
	v33 =	vsel vm3, v2, v0;
	v13 =	vadd.s32 v21, v13  }
0xb0: {  	vm2 =	vle.f32 v22, v32;
	v18 =	vadd.s32 v33, v18;
	vm3 =	vgt.s32 v13, $0xFFFFFFFF;
	[tilespmem:v14+s20+$0x0] =	vst.idx.add.f32.msk vm0, v9  }
0xb1: {  	v9 =	vshll.u32 v12, $0x4;
	v12 =	vsel vm2, v2, v0;
	vm0 =	vgt.s32 v18, $0xFFFFFFFF;
	[tilespmem:v10+s20+$0x0] =	vst.idx.add.f32.msk vm1, v15  }
0xb2: {  	v9 =	vadd.s32 v12, v9;
	vm1 =	vle.f32 v11, v31;
	v15 =	vld.idx.msk [tilespmem:v23+s5+$0x0], $0xffff  }
0xb3: {  	v10 =	vshll.u32 v16, $0x4;
	v21 =	vld [tilespmem:s25+$0xFFFFFF90];
	vm2 =	vgt.s32 v9, $0xFFFFFFFF;
	v12 =	vsel vm1, v6, v5  }
0xb4: {  	v16 =	vld [tilespmem:s26+$0xFFFFFFE0];
	v10 =	vadd.s32 v12, v10;
	v12 =	vsub.f32 v19, v34  }
0xb5: {  	v14 =	vsub.f32 v20, v27;
	v20 =	vld [tilespmem:s28+$0xFFFFFFB0];
	vm1 =	vle.f32 v17, v28;
	vm4 =	vgt.s32 v10, $0x1DF  }
0xb6: {  	v19 =	vsel vm1, v6, v5;
	[tilespmem:v13+s20+$0x0] =	vst.idx.add.f32.msk vm3, v12;
	v12 =	vshll.u32 v24, $0x4  }
0xb7: {  	v13 =	vsub.f32 v22, v29;
	[tilespmem:v18+s20+$0x0] =	vst.idx.add.f32.msk vm0, v14;
	v12 =	vadd.s32 v19, v12  }
0xb8: {  	v14 =	vld [tilespmem:s25+$0x50];
	v22 =	vmul.f32 $1.500000000e+01, v21;
	vm0 =	vgt.s32 v12, $0x1DF  }
0xb9: {  	vm1 =	vle.f32 v25, v15;
	[tilespmem:v9+s20+$0x0] =	vst.idx.add.f32.msk vm2, v13;
	v9 =	vsub.f32 v11, v16  }
0xba: {  	v11 =	vsel vm1, v6, v5;
	v13 =	vshll.u32 v23, $0x4;
	v16 =	vld [tilespmem:s25+$0x10];
	v18 =	vadd.f32 $8.388608000e+06, v22  }
0xbb: {  	v19 =	vmul.f32 $1.500000000e+01, v20;
	[tilespmem:v10+s20+$0x0] =	vst.idx.add.f32.msk vm4, v9;
	v9 =	vadd.s32 v11, v13  }
0xbc: {  	v15 =	vld [tilespmem:s25+$0xFFFFFFD0];
	v10 =	vsub.f32 v17, v30;
	v18 =	vadd.s32 $0xB5000000, v18;
	vm1 =	vgt.s32 v9, $0x1DF  }
0xbd: {  	v11 =	vld [tilespmem:s28+$0xFFFFFFF0]  }
0xbe: {  	v13 =	vadd.f32 $8.388608000e+06, v19;
	v17 =	vmul.f32 $1.500000000e+01, v14;
	[tilespmem:v12+s20+$0x0] =	vst.idx.add.f32.msk vm0, v10  }
0xbf: {  	v12 =	vld [tilespmem:s28+$0x30]  }
0xc0: {  	v62 =	vld [tilespmem:s26+$0xFFFFFFB0];
	v22 =	vadd.s32 $0xB5000000, v13;
	v13 =	vsub.f32 v25, v26;
	v10 =	vadd.f32 $8.388608000e+06, v17  }
0xc1: {  	v19 =	vmul.f32 $1.500000000e+01, v16;
	v17 =	vld.idx.msk [tilespmem:v18+s5+$0x0], $0xffff  }
0xc2: {  	v23 =	vadd.s32 $0xB5000000, v10;
	[tilespmem:v9+s20+$0x0] =	vst.idx.add.f32.msk vm1, v13  }
0xc3: {  	v24 =	vmul.f32 $1.500000000e+01, v15;
	v19 =	vadd.f32 $8.388608000e+06, v19;
	v13 =	vmul.f32 $1.500000000e+01, v11;
	v9 =	vld [tilespmem:s28+$0x70]  }
0xc4: {  	v31 =	vld [tilespmem:s26+$0x30];
	v26 =	vmul.f32 $1.500000000e+01, v12  }
0xc5: {  	v10 =	vld [tilespmem:s26+$0xFFFFFFF0];
	v24 =	vadd.f32 $8.388608000e+06, v24;
	v28 =	vadd.s32 $0xB5000000, v19;
	v13 =	vadd.f32 $8.388608000e+06, v13  }
0xc6: {  	v18 =	vshll.u32 v18, $0x4;
	v25 =	vld.idx.msk [tilespmem:v22+s5+$0x0], $0xffff;
	vm0 =	vle.f32 v21, v17;
	v26 =	vadd.f32 $8.388608000e+06, v26  }
0xc7: {  	v17 =	vadd.s32 $0xB5000000, v24;
	v24 =	vld.idx.msk [tilespmem:v23+s5+$0x0], $0xffff;
	v19 =	vadd.s32 $0xB5000000, v13;
	v27 =	vsel vm0, v4, v3  }
0xc8: {  	v13 =	vld [tilespmem:s24+$0xFFFFFF90];
	v61 =	vadd.s32 v27, v18;
	v18 =	vadd.s32 $0xB5000000, v26;
	v26 =	vmul.f32 $1.500000000e+01, v9  }
0xc9: {  	v29 =	vld [tilespmem:s26+$0x70];
	vm0 =	vgt.s32 v61, $0xEF  }
0xca: {  	v22 =	vshll.u32 v22, $0x4;
	v63 =	vld.idx.msk [tilespmem:v28+s5+$0x0], $0xffff;
	v26 =	vadd.f32 $8.388608000e+06, v26  }
0xcb: {  	v30 =	vld [tilespmem:s24+$0x50];
	v10 =	vsub.f32 v11, v10;
	v23 =	vshll.u32 v23, $0x4;
	v28 =	vshll.u32 v28, $0x4  }
0xcc: {  	vm1 =	vle.f32 v20, v25;
	v27 =	vshll.u32 v17, $0x4;
	v35 =	vld.idx.msk [tilespmem:v17+s5+$0x0], $0xffff;
	v36 =	vadd.s32 $0xB5000000, v26  }
0xcd: {  	v17 =	vsel vm1, v8, v7;
	vm1 =	vle.f32 v14, v24;
	v24 =	vld.idx.msk [tilespmem:v19+s5+$0x0], $0xffff;
	v26 =	vsub.f32 v21, v13  }
0xce: {  	v21 =	vsel vm1, v4, v3;
	v13 =	vsub.f32 v9, v29;
	v22 =	vadd.s32 v17, v22;
	v25 =	vld.idx.msk [tilespmem:v18+s5+$0x0], $0xffff  }
0xcf: {  	v17 =	vsub.f32 v12, v31;
	vm3 =	vle.f32 v16, v63;
	[tilespmem:v61+s20+$0x0] =	vst.idx.add.f32.msk vm0, v26;
	vm0 =	vgt.s32 v22, $0x2CF  }
0xd0: {  	v29 =	vadd.s32 v21, v23;
	v21 =	vsub.f32 v20, v62;
	v31 =	vsel vm3, v4, v3;
	v20 =	vld [tilespmem:s25+$0xFFFFFFA0]  }
0xd1: {  	s29 =	simm.s32 $0x10;
	s28 =	simm.s32 $0x4600;
	s26 =	simm.s32 $0x600;
	v23 =	vshll.u32 v36, $0x4;
	vm1 =	vgt.s32 v29, $0xEF;
	vm2 =	vle.f32 v15, v35;
	v26 =	vld.idx.msk [tilespmem:v36+s5+$0x0], $0xffff  }
.LBB2_3:
0xd2: {  	s29 =	sadd.s32 $0x10, s29;
	v32 =	vld [tilespmem:s24+$0xFFFFFFD0];
	v33 =	vsel vm2, v4, v3;
	vm3 =	vle.f32 v11, v24;
	v11 =	vshll.u32 v19, $0x4  }
0xd3: {  	s25 =	sadd.s32 $0x100, s25;
	vm4 =	vle.f32 v12, v25;
	p0 =	slt.u32 s29, $0x3F0;
	v19 =	vadd.s32 v33, v27;
	v24 =	vld [tilespmem:s24+$0x10];
	v27 =	vadd.s32 v31, v28  }
0xd4: {  	v25 =	vsel vm3, v8, v7;
	v12 =	vld [tilespmem:s25+$0xFFFFFF80];
	vm2 =	vgt.s32 v19, $0xEF;
	vm5 =	vgt.s32 v27, $0xEF  }
0xd5: {  	v14 =	vsub.f32 v14, v30;
	v28 =	vmul.f32 $1.500000000e+01, v20;
	[tilespmem:v22+s20+$0x0] =	vst.idx.add.f32.msk vm0, v21;
	v21 =	vadd.s32 v25, v11  }
0xd6: {  	v18 =	vshll.u32 v18, $0x4;
	v22 =	vsel vm4, v8, v7;
	v11 =	vld [tilespmem:s25+$0xFFFFFFC0];
	vm0 =	vgt.s32 v21, $0x2CF  }
0xd7: {  	v25 =	vadd.f32 $8.388608000e+06, v28;
	v15 =	vsub.f32 v15, v32;
	[tilespmem:v29+s20+$0x0] =	vst.idx.add.f32.msk vm1, v14;
	v14 =	vadd.s32 v22, v18  }
0xd8: {  	vm3 =	vle.f32 v9, v26;
	v18 =	vld [tilespmem:s25+$0x40];
	v16 =	vsub.f32 v16, v24;
	vm1 =	vgt.s32 v14, $0x2CF  }
0xd9: {  	v9 =	vmul.f32 $1.500000000e+01, v12;
	v22 =	vld [tilespmem:s25+$0x0];
	v24 =	vadd.s32 $0xB5000000, v25;
	v25 =	vsel vm3, v8, v7  }
0xda: {  	[tilespmem:v27+s20+$0x0] =	vst.idx.add.f32.msk vm5, v16;
	v16 =	vadd.s32 v25, v23  }
0xdb: {  	v9 =	vadd.f32 $8.388608000e+06, v9;
	[tilespmem:v19+s20+$0x0] =	vst.idx.add.f32.msk vm2, v15;
	vm2 =	vgt.s32 v16, $0x2CF  }
0xdc: {  	[tilespmem:v21+s20+$0x0] =	vst.idx.add.f32.msk vm0, v10  }
0xdd: {  	v9 =	vadd.s32 $0xB5000000, v9;
	v10 =	vld [tilespmem:s28+$0xFFFFFFE0]  }
0xde: {  	v15 =	vmul.f32 $1.500000000e+01, v18;
	v19 =	vld [tilespmem:s28+$0x20]  }
0xdf: {  	v21 =	vmul.f32 $1.500000000e+01, v22;
	[tilespmem:v14+s20+$0x0] =	vst.idx.add.f32.msk vm1, v17  }
0xe0: {  	v14 =	vmul.f32 $1.500000000e+01, v11;
	v15 =	vadd.f32 $8.388608000e+06, v15;
	v17 =	vld.idx.msk [tilespmem:v24+s5+$0x0], $0xffff  }
0xe1: {  	v21 =	vadd.f32 $8.388608000e+06, v21;
	[tilespmem:v16+s20+$0x0] =	vst.idx.add.f32.msk vm2, v13  }
0xe2: {  	v14 =	vadd.f32 $8.388608000e+06, v14;
	v15 =	vadd.s32 $0xB5000000, v15;
	v13 =	vld.idx.msk [tilespmem:v9+s5+$0x0], $0xffff;
	v16 =	vmul.f32 $1.500000000e+01, v10  }
0xe3: {  	v21 =	vadd.s32 $0xB5000000, v21;
	v23 =	vmul.f32 $1.500000000e+01, v19;
	v25 =	vld [tilespmem:s28+$0x60]  }
0xe4: {  	v14 =	vadd.s32 $0xB5000000, v14;
	v16 =	vadd.f32 $8.388608000e+06, v16;
	v26 =	vld [tilespmem:s24+$0x60]  }
0xe5: {  	s24 =	sadd.s32 $0x100, s24;
	v27 =	vld [tilespmem:s26+$0xFFFFFFA0];
	v23 =	vadd.f32 $8.388608000e+06, v23  }
0xe6: {  	vm0 =	vle.f32 v20, v17;
	v28 =	vld [tilespmem:s24+$0xFFFFFF80];
	v16 =	vadd.s32 $0xB5000000, v16  }
0xe7: {  	v29 =	vsel vm0, v6, v5;
	v17 =	vld.idx.msk [tilespmem:v15+s5+$0x0], $0xffff;
	v23 =	vadd.s32 $0xB5000000, v23  }
0xe8: {  	v24 =	vshll.u32 v24, $0x4;
	vm0 =	vle.f32 v12, v13;
	v13 =	vld.idx.msk [tilespmem:v21+s5+$0x0], $0xffff;
	v30 =	vmul.f32 $1.500000000e+01, v25  }
0xe9: {  	v9 =	vshll.u32 v9, $0x4;
	v24 =	vadd.s32 v29, v24;
	v31 =	vsel vm0, v2, v0;
	v32 =	vld.idx.msk [tilespmem:v14+s5+$0x0], $0xffff  }
0xea: {  	vm0 =	vgt.s32 v24, $0x1DF;
	v9 =	vadd.s32 v31, v9;
	v29 =	vld [tilespmem:s24+$0xFFFFFFC0];
	v30 =	vadd.f32 $8.388608000e+06, v30  }
0xeb: {  	vm1 =	vgt.s32 v9, $0xFFFFFFFF;
	v20 =	vsub.f32 v20, v27;
	v12 =	vsub.f32 v12, v28;
	v27 =	vld.idx.msk [tilespmem:v16+s5+$0x0], $0xffff  }
0xec: {  	v14 =	vshll.u32 v14, $0x4;
	v26 =	vsub.f32 v25, v26;
	v16 =	vshll.u32 v16, $0x4;
	v28 =	vld.idx.msk [tilespmem:v23+s5+$0x0], $0xffff  }
0xed: {  	v21 =	vshll.u32 v21, $0x4;
	vm2 =	vle.f32 v18, v17;
	v17 =	vadd.s32 $0xB5000000, v30;
	v31 =	vld [tilespmem:s24+$0x0]  }
0xee: {  	v15 =	vshll.u32 v15, $0x4;
	vm3 =	vle.f32 v22, v13;
	v13 =	vsel vm2, v2, v0;
	v30 =	vld [tilespmem:s26+$0x20]  }
0xef: {  	vm2 =	vle.f32 v11, v32;
	v32 =	vsel vm3, v2, v0;
	v13 =	vadd.s32 v13, v15;
	v33 =	vld [tilespmem:s24+$0x40]  }
0xf0: {  	v15 =	vsel vm2, v2, v0;
	v21 =	vadd.s32 v32, v21;
	vm2 =	vgt.s32 v13, $0xFFFFFFFF;
	[tilespmem:v24+s20+$0x0] =	vst.idx.add.f32.msk vm0, v20  }
0xf1: {  	vm0 =	vgt.s32 v21, $0xFFFFFFFF;
	[tilespmem:v9+s20+$0x0] =	vst.idx.add.f32.msk vm1, v12;
	v9 =	vadd.s32 v15, v14;
	vm1 =	vle.f32 v10, v27  }
0xf2: {  	v20 =	vld [tilespmem:s25+$0xFFFFFF90];
	vm3 =	vgt.s32 v9, $0xFFFFFFFF;
	v12 =	vsel vm1, v6, v5;
	vm1 =	vle.f32 v19, v28  }
0xf3: {  	v12 =	vadd.s32 v12, v16;
	v19 =	vsub.f32 v19, v30;
	v14 =	vsel vm1, v6, v5;
	v15 =	vld.idx.msk [tilespmem:v17+s5+$0x0], $0xffff  }
0xf4: {  	v16 =	vsub.f32 v22, v31;
	v18 =	vsub.f32 v18, v33;
	v22 =	vld [tilespmem:s26+$0xFFFFFFE0];
	vm1 =	vgt.s32 v12, $0x1DF  }
0xf5: {  	v11 =	vsub.f32 v11, v29;
	v31 =	vld [tilespmem:s28+$0xFFFFFFB0]  }
0xf6: {  	[tilespmem:v13+s20+$0x0] =	vst.idx.add.f32.msk vm2, v18;
	v13 =	vshll.u32 v23, $0x4  }
0xf7: {  	v18 =	vmul.f32 $1.500000000e+01, v20;
	[tilespmem:v21+s20+$0x0] =	vst.idx.add.f32.msk vm0, v16;
	v13 =	vadd.s32 v14, v13  }
0xf8: {  	v14 =	vld [tilespmem:s25+$0x50];
	vm0 =	vgt.s32 v13, $0x1DF  }
0xf9: {  	vm2 =	vle.f32 v25, v15;
	v16 =	vadd.f32 $8.388608000e+06, v18;
	[tilespmem:v9+s20+$0x0] =	vst.idx.add.f32.msk vm3, v11;
	v9 =	vsub.f32 v10, v22  }
0xfa: {  	v17 =	vshll.u32 v17, $0x4;
	v11 =	vsel vm2, v6, v5;
	v15 =	vld [tilespmem:s25+$0xFFFFFFD0];
	v10 =	vmul.f32 $1.500000000e+01, v31  }
0xfb: {  	v18 =	vadd.s32 $0xB5000000, v16;
	[tilespmem:v12+s20+$0x0] =	vst.idx.add.f32.msk vm1, v9;
	v9 =	vadd.s32 v11, v17  }
0xfc: {  	v16 =	vld [tilespmem:s25+$0x10];
	v10 =	vadd.f32 $8.388608000e+06, v10;
	vm1 =	vgt.s32 v9, $0x1DF  }
0xfd: {  	v12 =	vmul.f32 $1.500000000e+01, v14;
	v11 =	vld [tilespmem:s28+$0xFFFFFFF0]  }
0xfe: {  	v17 =	vadd.s32 $0xB5000000, v10;
	[tilespmem:v13+s20+$0x0] =	vst.idx.add.f32.msk vm0, v19  }
0xff: {  	v10 =	vadd.f32 $8.388608000e+06, v12;
	v12 =	vld [tilespmem:s28+$0x30]  }
0x100: {  	v13 =	vld.idx.msk [tilespmem:v18+s5+$0x0], $0xffff  }
0x101: {  	v19 =	vmul.f32 $1.500000000e+01, v16;
	v21 =	vadd.s32 $0xB5000000, v10;
	v10 =	vld [tilespmem:s26+$0xFFFFFFF0]  }
0x102: {  	v22 =	vmul.f32 $1.500000000e+01, v15;
	v23 =	vmul.f32 $1.500000000e+01, v11;
	[tilespmem:v9+s20+$0x0] =	vst.idx.add.f32.msk vm1, v26  }
0x103: {  	v19 =	vadd.f32 $8.388608000e+06, v19;
	v9 =	vld [tilespmem:s28+$0x70];
	s28 =	smov.u32 s25  }
0x104: {  	v22 =	vadd.f32 $8.388608000e+06, v22;
	v24 =	vld.idx.msk [tilespmem:v17+s5+$0x0], $0xffff;
	v23 =	vadd.f32 $8.388608000e+06, v23;
	v25 =	vmul.f32 $1.500000000e+01, v12  }
0x105: {  	v26 =	vadd.s32 $0xB5000000, v19;
	v29 =	vld [tilespmem:s26+$0x70]  }
0x106: {  	vm0 =	vle.f32 v20, v13;
	v13 =	vadd.s32 $0xB5000000, v22;
	v22 =	vld.idx.msk [tilespmem:v21+s5+$0x0], $0xffff;
	v25 =	vadd.f32 $8.388608000e+06, v25  }
0x107: {  	v18 =	vshll.u32 v18, $0x4;
	v27 =	vsel vm0, v4, v3;
	v19 =	vadd.s32 $0xB5000000, v23;
	v23 =	vld [tilespmem:s26+$0x30]  }
0x108: {  	v32 =	vadd.s32 v27, v18;
	v30 =	vld [tilespmem:s24+$0xFFFFFF90];
	v18 =	vadd.s32 $0xB5000000, v25;
	v25 =	vmul.f32 $1.500000000e+01, v9  }
0x109: {  	v10 =	vsub.f32 v11, v10;
	v27 =	vshll.u32 v13, $0x4;
	vm0 =	vgt.s32 v32, $0xEF;
	v33 =	vld [tilespmem:s26+$0xFFFFFFB0];
	s26 =	smov.u32 s24  }
0x10a: {  	v28 =	vshll.u32 v26, $0x4;
	vm1 =	vle.f32 v31, v24;
	v34 =	vld.idx.msk [tilespmem:v26+s5+$0x0], $0xffff;
	v25 =	vadd.f32 $8.388608000e+06, v25  }
0x10b: {  	v35 =	vsel vm1, v8, v7;
	v26 =	vld.idx.msk [tilespmem:v13+s5+$0x0], $0xffff;
	v13 =	vsub.f32 v9, v29  }
0x10c: {  	v17 =	vshll.u32 v17, $0x4;
	vm1 =	vle.f32 v14, v22;
	v24 =	vld.idx.msk [tilespmem:v19+s5+$0x0], $0xffff;
	v36 =	vadd.s32 $0xB5000000, v25  }
.Ltmp2:
0x10d: {  	v21 =	vshll.u32 v21, $0x4;
	v22 =	vsel vm1, v4, v3;
	v20 =	vsub.f32 v20, v30;
	v25 =	vld.idx.msk [tilespmem:v18+s5+$0x0], $0xffff;
	(pc) =	sbr.rel @p0 .LBB2_3-.Ltmp2, $4  }
0x10e: {  	v29 =	vadd.s32 v22, v21;
	v22 =	vadd.s32 v35, v17;
	v30 =	vld [tilespmem:s24+$0x50];
	v21 =	vsub.f32 v31, v33  }
0x10f: {  	v17 =	vsub.f32 v12, v23;
	vm1 =	vgt.s32 v29, $0xEF;
	[tilespmem:v32+s20+$0x0] =	vst.idx.add.f32.msk vm0, v20;
	vm0 =	vgt.s32 v22, $0x2CF  }
0x110: {  	vm3 =	vle.f32 v16, v34;
	v20 =	vld [tilespmem:s25+$0xFFFFFFA0]  }
0x111: {  	v23 =	vshll.u32 v36, $0x4;
	vm2 =	vle.f32 v15, v26;
	v31 =	vsel vm3, v4, v3;
	v26 =	vld.idx.msk [tilespmem:v36+s5+$0x0], $0xffff  }
0x112: {  	v32 =	vsel vm2, v4, v3  }
0x113: {  	v33 =	vld [tilespmem:s24+$0xFFFFFFD0];
	v27 =	vadd.s32 v32, v27  }
0x114: {  	vm2 =	vgt.s32 v27, $0xEF  }
0x115: {  	v50 =	vld [tilespmem:s24+$0x10];
	v28 =	vadd.s32 v31, v28  }
0x116: {  	vm3 =	vgt.s32 v28, $0xEF;
	v14 =	vsub.f32 v14, v30;
	_ =	sdelay $0x1  }
0x117: {  	[tilespmem:v29+s20+$0x0] =	vst.idx.add.f32.msk vm1, v14;
	v15 =	vsub.f32 v15, v33  }
0x118: {  	v14 =	vld [tilespmem:s28+$0x60]  }
0x119: {  	v16 =	vsub.f32 v16, v50;
	[tilespmem:v27+s20+$0x0] =	vst.idx.add.f32.msk vm2, v15  }
0x11a: {  	v27 =	vmul.f32 $1.500000000e+01, v20;
	v15 =	vld [tilespmem:s28+$0xFFFFFFE0]  }
0x11b: {  	[tilespmem:v28+s20+$0x0] =	vst.idx.add.f32.msk vm3, v16  }
0x11c: {  	v16 =	vld [tilespmem:s28+$0x20];
	v27 =	vadd.f32 $8.388608000e+06, v27;
	_ =	sdelay $0x1  }
0x11d: {  	v27 =	vadd.s32 $0xB5000000, v27  }
0x11e: {  	v28 =	vmul.f32 $1.500000000e+01, v15  }
0x11f: {  	v30 =	vmul.f32 $1.500000000e+01, v14  }
0x120: {  	v29 =	vmul.f32 $1.500000000e+01, v16;
	v28 =	vadd.f32 $8.388608000e+06, v28  }
0x121: {  	v30 =	vadd.f32 $8.388608000e+06, v30  }
0x122: {  	v29 =	vadd.f32 $8.388608000e+06, v29;
	v31 =	vld.idx.msk [tilespmem:v27+s5+$0x0], $0xffff;
	v28 =	vadd.s32 $0xB5000000, v28  }
0x123: {  	v30 =	vadd.s32 $0xB5000000, v30  }
0x124: {  	v29 =	vadd.s32 $0xB5000000, v29;
	_ =	sdelay $0x1  }
0x125: {  	v34 =	vld [tilespmem:s26+$0xFFFFFFA0]  }
0x126: {  	vm1 =	vle.f32 v20, v31;
	v51 =	vld.idx.msk [tilespmem:v28+s5+$0x0], $0xffff  }
0x127: {  	v27 =	vshll.u32 v27, $0x4;
	v35 =	vld.idx.msk [tilespmem:v30+s5+$0x0], $0xffff;
	v31 =	vsel vm1, v6, v5  }
0x128: {  	v52 =	vld.idx.msk [tilespmem:v29+s5+$0x0], $0xffff;
	v27 =	vadd.s32 v31, v27  }
0x129: {  	vm2 =	vgt.s32 v27, $0x1DF;
	_ =	sdelay $0x1  }
0x12a: {  	v30 =	vshll.u32 v30, $0x4;
	v20 =	vsub.f32 v20, v34;
	vm1 =	vle.f32 v15, v51  }
0x12b: {  	v28 =	vshll.u32 v28, $0x4;
	vm3 =	vle.f32 v14, v35;
	v31 =	vsel vm1, v6, v5  }
0x12c: {  	v55 =	vsel vm3, v6, v5;
	vm1 =	vle.f32 v16, v52;
	v28 =	vadd.s32 v31, v28;
	v31 =	vld [tilespmem:s26+$0xFFFFFFE0]  }
0x12d: {  	v56 =	vld [tilespmem:s24+$0x60];
	v30 =	vadd.s32 v55, v30;
	v53 =	vsel vm1, v6, v5;
	vm1 =	vgt.s32 v28, $0x1DF  }
0x12e: {  	v29 =	vshll.u32 v29, $0x4;
	[tilespmem:v27+s20+$0x0] =	vst.idx.add.f32.msk vm2, v20;
	vm2 =	vgt.s32 v30, $0x1DF  }
0x12f: {  	v54 =	vld [tilespmem:s26+$0x20];
	v29 =	vadd.s32 v53, v29  }
0x130: {  	vm4 =	vgt.s32 v29, $0x1DF  }
0x131: {  	v15 =	vsub.f32 v15, v31  }
0x132: {  	v14 =	vsub.f32 v14, v56;
	v20 =	vld [tilespmem:s28+$0xFFFFFFB0]  }
0x133: {  	[tilespmem:v28+s20+$0x0] =	vst.idx.add.f32.msk vm1, v15  }
0x134: {  	v16 =	vsub.f32 v16, v54;
	[tilespmem:v30+s20+$0x0] =	vst.idx.add.f32.msk vm2, v14  }
0x135: {  	v15 =	vld [tilespmem:s28+$0xFFFFFFF0]  }
0x136: {  	[tilespmem:v29+s20+$0x0] =	vst.idx.add.f32.msk vm4, v16  }
0x137: {  	v16 =	vld [tilespmem:s28+$0x30]  }
0x138: {  	v14 =	vmul.f32 $1.500000000e+01, v20;
	v27 =	vld [tilespmem:s28+$0x70];
	_ =	sdelay $0x1  }
0x139: {  	v14 =	vadd.f32 $8.388608000e+06, v14  }
0x13a: {  	v28 =	vmul.f32 $1.500000000e+01, v15  }
0x13b: {  	v14 =	vadd.s32 $0xB5000000, v14;
	v29 =	vmul.f32 $1.500000000e+01, v16  }
0x13c: {  	v30 =	vmul.f32 $1.500000000e+01, v27;
	v28 =	vadd.f32 $8.388608000e+06, v28  }
0x13d: {  	v29 =	vadd.f32 $8.388608000e+06, v29  }
0x13e: {  	v30 =	vadd.f32 $8.388608000e+06, v30;
	v28 =	vadd.s32 $0xB5000000, v28  }
0x13f: {  	v29 =	vadd.s32 $0xB5000000, v29  }
0x140: {  	v31 =	vld.idx.msk [tilespmem:v14+s5+$0x0], $0xffff;
	v30 =	vadd.s32 $0xB5000000, v30  }
0x141: {  	vm1 =	vle.f32 v11, v24  }
0x142: {  	v11 =	vshll.u32 v19, $0x4;
	vm2 =	vle.f32 v12, v25;
	v12 =	vsel vm1, v8, v7  }
0x143: {  	v18 =	vshll.u32 v18, $0x4;
	v11 =	vadd.s32 v12, v11;
	v12 =	vsel vm2, v8, v7;
	v19 =	vld.idx.msk [tilespmem:v28+s5+$0x0], $0xffff  }
0x144: {  	vm2 =	vle.f32 v9, v26;
	vm1 =	vgt.s32 v11, $0x2CF;
	v12 =	vadd.s32 v12, v18;
	v9 =	vld.idx.msk [tilespmem:v29+s5+$0x0], $0xffff  }
0x145: {  	v18 =	vsel vm2, v8, v7;
	vm3 =	vgt.s32 v12, $0x2CF;
	vm2 =	vle.f32 v20, v31;
	v24 =	vld.idx.msk [tilespmem:v30+s5+$0x0], $0xffff  }
0x146: {  	v18 =	vadd.s32 v18, v23;
	v14 =	vshll.u32 v14, $0x4;
	v23 =	vsel vm2, v8, v7  }
0x147: {  	v25 =	vshll.u32 v29, $0x4;
	vm2 =	vgt.s32 v18, $0x2CF;
	v14 =	vadd.s32 v23, v14  }
0x148: {  	[tilespmem:v22+s20+$0x0] =	vst.idx.add.f32.msk vm0, v21;
	v23 =	vshll.u32 v30, $0x4;
	vm0 =	vgt.s32 v14, $0x2CF;
	vm11 =	vle.f32 v15, v19  }
0x149: {  	v22 =	vld [tilespmem:s26+$0xFFFFFFB0];
	v19 =	vshll.u32 v28, $0x4;
	v21 =	vsel vm11, v8, v7;
	vm12 =	vle.f32 v16, v9  }
0x14a: {  	vm13 =	vle.f32 v27, v24;
	v9 =	vadd.s32 v21, v19;
	v19 =	vld [tilespmem:s26+$0xFFFFFFF0];
	v21 =	vsel vm12, v8, v7  }
0x14b: {  	v24 =	vld [tilespmem:s26+$0x30];
	vm5 =	vgt.s32 v9, $0x2CF;
	v21 =	vadd.s32 v21, v25;
	v25 =	vsel vm13, v8, v7  }
0x14c: {  	v26 =	vld [tilespmem:s26+$0x70];
	vm14 =	vgt.s32 v21, $0x2CF;
	v23 =	vadd.s32 v25, v23  }
0x14d: {  	[tilespmem:v11+s20+$0x0] =	vst.idx.add.f32.msk vm1, v10;
	vm1 =	vgt.s32 v23, $0x2CF  }
0x14e: {  	v10 =	vsub.f32 v20, v22;
	[tilespmem:v12+s20+$0x0] =	vst.idx.add.f32.msk vm3, v17  }
0x14f: {  	[tilespmem:v18+s20+$0x0] =	vst.idx.add.f32.msk vm2, v13;
	v11 =	vsub.f32 v15, v19  }
0x150: {  	p0 =	seq.s32 s23, $0xF;
	s24 =	sshll.u32 s23, $0xF;
	[tilespmem:v14+s20+$0x0] =	vst.idx.add.f32.msk vm0, v10;
	v12 =	vsub.f32 v16, v24  }
0x151: {  	s25 =	sadd.s32 @!p0 s24, s10;
	v10 =	vsub.f32 v27, v26;
	[tilespmem:v9+s20+$0x0] =	vst.idx.add.f32.msk vm5, v11  }
0x152: {  	s25 =	sshrl.u32 @!p0 s25, $0x3;
	[tilespmem:v21+s20+$0x0] =	vst.idx.add.f32.msk vm14, v12  }
0x153: {  	s29 =	simm.s32 @!p0 $0x480;
	s28 =	simm.s32 @!p0 $0x0;
	s26 =	sadd.s32 @!p0 s1, s25;
	[tilespmem:v23+s20+$0x0] =	vst.idx.add.f32.msk vm1, v10  }
0x154: {  	[tilespmem:s29], [sflag:$0x1] =	stream.linear.gather @!p0 [hbm4b:s26+s28], $0x4000, $0x38;
	[tilespmem:$0x10480] =	vst v63  }
0x155: {  	s25 =	sadd.s32 @!p0 s2, s25;
	s26 =	simm.s32 @!p0 $0x4480  }
0x156: {  	[tilespmem:s26], [sflag:$0x1] =	stream.linear.gather @!p0 [hbm4b:s25+s28], $0x4000, $0x38;
	[tilespmem:$0x10480] =	vst v63  }
0x157: {  	_ =	swait.ge [sflag:s21], $0x4000  }
0x158: {  	[sflag:s21] =	ssyncset.done $0x0  }
0x159: {  	[sflag:s21] =	ssyncadd.s32 $0xFFFFC000  }
0x15a: {  	_ =	swait.ge [sflag:s21], $0x4000  }
0x15b: {  	[sflag:s21] =	ssyncset.done $0x0  }
0x15c: {  	s29 =	simm.s32 $0xC500;
	[sflag:s21] =	ssyncadd.s32 $0xFFFFC000  }
0x15d: {  	v9 =	vld [tilespmem:s29+$0xFFFFFF80];
	_ =	sdelay $0x4  }
0x15e: {  	v10 =	vmul.f32 $1.500000000e+01, v9;
	_ =	sdelay $0x1  }
0x15f: {  	v10 =	vadd.f32 $8.388608000e+06, v10  }
0x160: {  	v11 =	vld [tilespmem:s29+$0x40]  }
0x161: {  	v12 =	vld [tilespmem:s29+$0x0];
	v10 =	vadd.s32 $0xB5000000, v10  }
0x162: {  	v13 =	vld [tilespmem:s29+$0xFFFFFFC0];
	_ =	sdelay $0x2  }
0x163: {  	v14 =	vmul.f32 $1.500000000e+01, v11  }
0x164: {  	v15 =	vmul.f32 $1.500000000e+01, v12;
	v16 =	vld.idx.msk [tilespmem:v10+s5+$0x0], $0xffff  }
0x165: {  	v17 =	vmul.f32 $1.500000000e+01, v13;
	v14 =	vadd.f32 $8.388608000e+06, v14  }
0x166: {  	v15 =	vadd.f32 $8.388608000e+06, v15  }
0x167: {  	v17 =	vadd.f32 $8.388608000e+06, v17;
	v14 =	vadd.s32 $0xB5000000, v14  }
0x168: {  	v15 =	vadd.s32 $0xB5000000, v15  }
0x169: {  	v17 =	vadd.s32 $0xB5000000, v17;
	vm0 =	vle.f32 v9, v16  }
0x16a: {  	s28 =	simm.s32 $0x8500;
	v10 =	vshll.u32 v10, $0x4;
	v16 =	vsel vm0, v2, v0  }
0x16b: {  	v18 =	vld [tilespmem:s28+$0xFFFFFF80];
	v10 =	vadd.s32 v16, v10  }
0x16c: {  	v16 =	vld.idx.msk [tilespmem:v14+s5+$0x0], $0xffff;
	vm0 =	vgt.s32 v10, $0xFFFFFFFF  }
0x16d: {  	v19 =	vld.idx.msk [tilespmem:v15+s5+$0x0], $0xffff  }
0x16e: {  	v20 =	vld.idx.msk [tilespmem:v17+s5+$0x0], $0xffff;
	_ =	sdelay $0x1  }
0x16f: {  	v9 =	vsub.f32 v9, v18  }
0x170: {  	v17 =	vshll.u32 v17, $0x4;
	v15 =	vshll.u32 v15, $0x4;
	vm1 =	vle.f32 v11, v16;
	v16 =	vld [tilespmem:s28+$0x40]  }
0x171: {  	vm2 =	vle.f32 v12, v19;
	v14 =	vshll.u32 v14, $0x4;
	v18 =	vsel vm1, v2, v0;
	[tilespmem:v10+s20+$0x0] =	vst.idx.add.f32.msk vm0, v9  }
0x172: {  	vm0 =	vle.f32 v13, v20;
	v9 =	vsel vm2, v2, v0;
	v10 =	vadd.s32 v18, v14;
	v14 =	vld [tilespmem:s29+$0xFFFFFF90]  }
0x173: {  	v18 =	vld [tilespmem:s28+$0x0];
	v19 =	vsel vm0, v2, v0;
	v9 =	vadd.s32 v9, v15;
	vm0 =	vgt.s32 v10, $0xFFFFFFFF  }
0x174: {  	v15 =	vld [tilespmem:s28+$0xFFFFFFC0];
	v17 =	vadd.s32 v19, v17;
	vm1 =	vgt.s32 v9, $0xFFFFFFFF  }
0x175: {  	vm2 =	vgt.s32 v17, $0xFFFFFFFF;
	_ =	sdelay $0x1  }
0x176: {  	v11 =	vsub.f32 v11, v16;
	v16 =	vmul.f32 $1.500000000e+01, v14  }
0x177: {  	v12 =	vsub.f32 v12, v18  }
0x178: {  	v13 =	vsub.f32 v13, v15;
	[tilespmem:v10+s20+$0x0] =	vst.idx.add.f32.msk vm0, v11;
	v10 =	vadd.f32 $8.388608000e+06, v16  }
0x179: {  	[tilespmem:v9+s20+$0x0] =	vst.idx.add.f32.msk vm1, v12  }
0x17a: {  	[tilespmem:v17+s20+$0x0] =	vst.idx.add.f32.msk vm2, v13;
	v9 =	vadd.s32 $0xB5000000, v10  }
0x17b: {  	v10 =	vld [tilespmem:s29+$0x10]  }
0x17c: {  	v11 =	vld [tilespmem:s29+$0xFFFFFFD0]  }
0x17d: {  	v12 =	vld [tilespmem:s29+$0x50];
	_ =	sdelay $0x1  }
0x17e: {  	v13 =	vld.idx.msk [tilespmem:v9+s5+$0x0], $0xffff  }
0x17f: {  	v15 =	vmul.f32 $1.500000000e+01, v10  }
0x180: {  	v16 =	vmul.f32 $1.500000000e+01, v11  }
0x181: {  	v17 =	vmul.f32 $1.500000000e+01, v12;
	v15 =	vadd.f32 $8.388608000e+06, v15  }
0x182: {  	v16 =	vadd.f32 $8.388608000e+06, v16  }
0x183: {  	v17 =	vadd.f32 $8.388608000e+06, v17;
	v15 =	vadd.s32 $0xB5000000, v15;
	vm0 =	vle.f32 v14, v13  }
0x184: {  	v9 =	vshll.u32 v9, $0x4;
	v13 =	vadd.s32 $0xB5000000, v16;
	v16 =	vsel vm0, v4, v3  }
0x185: {  	v18 =	vld [tilespmem:s28+$0xFFFFFF90];
	v9 =	vadd.s32 v16, v9  }
0x186: {  	v16 =	vadd.s32 $0xB5000000, v17;
	vm0 =	vgt.s32 v9, $0xEF;
	_ =	sdelay $0x1  }
0x187: {  	v17 =	vld.idx.msk [tilespmem:v15+s5+$0x0], $0xffff  }
0x188: {  	v19 =	vld.idx.msk [tilespmem:v13+s5+$0x0], $0xffff  }
0x189: {  	v14 =	vsub.f32 v14, v18  }
0x18a: {  	v18 =	vld.idx.msk [tilespmem:v16+s5+$0x0], $0xffff  }
0x18b: {  	[tilespmem:v9+s20+$0x0] =	vst.idx.add.f32.msk vm0, v14  }
0x18c: {  	vm0 =	vle.f32 v10, v17;
	v17 =	vld [tilespmem:s28+$0x10]  }
0x18d: {  	s26 =	simm.s32 $0xC600;
	v14 =	vshll.u32 v15, $0x4;
	v9 =	vld [tilespmem:s29+$0xFFFFFFA0];
	vm1 =	vle.f32 v11, v19;
	v15 =	vsel vm0, v4, v3  }
0x18e: {  	v13 =	vshll.u32 v13, $0x4;
	v19 =	vsel vm1, v4, v3;
	v14 =	vadd.s32 v15, v14;
	v15 =	vld [tilespmem:s26+$0xFFFFFF80]  }
0x18f: {  	v20 =	vld [tilespmem:s28+$0xFFFFFFD0];
	v13 =	vadd.s32 v19, v13;
	vm0 =	vgt.s32 v14, $0xEF  }
0x190: {  	vm2 =	vle.f32 v12, v18;
	vm1 =	vgt.s32 v13, $0xEF  }
0x191: {  	v22 =	vld [tilespmem:s26+$0xFFFFFFC0];
	v16 =	vshll.u32 v16, $0x4;
	v19 =	vsel vm2, v4, v3  }
0x192: {  	v18 =	vld [tilespmem:s28+$0x50];
	v16 =	vadd.s32 v19, v16;
	v21 =	vmul.f32 $1.500000000e+01, v9  }
0x193: {  	v19 =	vld [tilespmem:s26+$0x40];
	v10 =	vsub.f32 v10, v17;
	vm2 =	vgt.s32 v16, $0xEF;
	v17 =	vmul.f32 $1.500000000e+01, v15  }
0x194: {  	v11 =	vsub.f32 v11, v20;
	v20 =	vld [tilespmem:s26+$0x0];
	v21 =	vadd.f32 $8.388608000e+06, v21  }
0x195: {  	[tilespmem:v14+s20+$0x0] =	vst.idx.add.f32.msk vm0, v10;
	v10 =	vadd.f32 $8.388608000e+06, v17  }
0x196: {  	v14 =	vadd.s32 $0xB5000000, v21;
	[tilespmem:v13+s20+$0x0] =	vst.idx.add.f32.msk vm1, v11  }
0x197: {  	v12 =	vsub.f32 v12, v18;
	v17 =	vld [tilespmem:s29+$0x20];
	v10 =	vadd.s32 $0xB5000000, v10  }
0x198: {  	v13 =	vmul.f32 $1.500000000e+01, v19;
	v11 =	vld [tilespmem:s29+$0xFFFFFFE0]  }
0x199: {  	v18 =	vmul.f32 $1.500000000e+01, v20;
	[tilespmem:v16+s20+$0x0] =	vst.idx.add.f32.msk vm2, v12  }
0x19a: {  	v13 =	vadd.f32 $8.388608000e+06, v13;
	v25 =	vld [tilespmem:s29+$0x60]  }
0x19b: {  	v18 =	vadd.f32 $8.388608000e+06, v18;
	v12 =	vmul.f32 $1.500000000e+01, v22;
	v16 =	vld.idx.msk [tilespmem:v14+s5+$0x0], $0xffff  }
0x19c: {  	s25 =	simm.s32 $0x8600;
	v13 =	vadd.s32 $0xB5000000, v13;
	v21 =	vld.idx.msk [tilespmem:v10+s5+$0x0], $0xffff  }
0x19d: {  	v28 =	vld [tilespmem:s25+$0xFFFFFF80];
	v18 =	vadd.s32 $0xB5000000, v18;
	v12 =	vadd.f32 $8.388608000e+06, v12;
	v23 =	vmul.f32 $1.500000000e+01, v11  }
0x19e: {  	v27 =	vld [tilespmem:s28+$0xFFFFFFA0];
	v24 =	vmul.f32 $1.500000000e+01, v17;
	v14 =	vshll.u32 v14, $0x4  }
0x19f: {  	v59 =	vld [tilespmem:s25+$0x40];
	v12 =	vadd.s32 $0xB5000000, v12;
	v10 =	vshll.u32 v10, $0x4;
	v23 =	vadd.f32 $8.388608000e+06, v23  }
0x1a0: {  	v26 =	vld [tilespmem:s28+$0x60];
	v24 =	vadd.f32 $8.388608000e+06, v24;
	v30 =	vmul.f32 $1.500000000e+01, v25;
	vm0 =	vle.f32 v9, v16  }
0x1a1: {  	v16 =	vadd.s32 $0xB5000000, v23;
	v23 =	vld.idx.msk [tilespmem:v13+s5+$0x0], $0xffff;
	v29 =	vsel vm0, v6, v5;
	vm0 =	vle.f32 v15, v21  }
0x1a2: {  	v24 =	vadd.s32 $0xB5000000, v24;
	v21 =	vld.idx.msk [tilespmem:v18+s5+$0x0], $0xffff;
	v31 =	vsel vm0, v2, v0;
	v14 =	vadd.s32 v29, v14  }
0x1a3: {  	v9 =	vsub.f32 v9, v27;
	v27 =	vld [tilespmem:s25+$0x0];
	v10 =	vadd.s32 v31, v10;
	vm0 =	vgt.s32 v14, $0x1DF  }
0x1a4: {  	v30 =	vadd.f32 $8.388608000e+06, v30;
	v57 =	vld.idx.msk [tilespmem:v12+s5+$0x0], $0xffff;
	vm1 =	vgt.s32 v10, $0xFFFFFFFF  }
0x1a5: {  	v29 =	vld [tilespmem:s25+$0xFFFFFFC0]  }
0x1a6: {  	v13 =	vshll.u32 v13, $0x4;
	v31 =	vld.idx.msk [tilespmem:v16+s5+$0x0], $0xffff;
	vm2 =	vle.f32 v19, v23;
	v23 =	vadd.s32 $0xB5000000, v30  }
0x1a7: {  	v15 =	vsub.f32 v15, v28;
	v28 =	vld.idx.msk [tilespmem:v24+s5+$0x0], $0xffff;
	vm3 =	vle.f32 v20, v21;
	v21 =	vsel vm2, v2, v0  }
0x1a8: {  	v18 =	vshll.u32 v18, $0x4;
	v30 =	vld [tilespmem:s28+$0x20];
	v58 =	vsel vm3, v2, v0;
	v13 =	vadd.s32 v21, v13  }
0x1a9: {  	vm2 =	vle.f32 v22, v57;
	v18 =	vadd.s32 v58, v18;
	vm3 =	vgt.s32 v13, $0xFFFFFFFF;
	[tilespmem:v14+s20+$0x0] =	vst.idx.add.f32.msk vm0, v9  }
0x1aa: {  	v9 =	vshll.u32 v12, $0x4;
	v12 =	vsel vm2, v2, v0;
	vm0 =	vgt.s32 v18, $0xFFFFFFFF;
	[tilespmem:v10+s20+$0x0] =	vst.idx.add.f32.msk vm1, v15  }
0x1ab: {  	v9 =	vadd.s32 v12, v9;
	vm1 =	vle.f32 v11, v31;
	v15 =	vld.idx.msk [tilespmem:v23+s5+$0x0], $0xffff  }
0x1ac: {  	v10 =	vshll.u32 v16, $0x4;
	v21 =	vld [tilespmem:s26+$0xFFFFFF90];
	vm2 =	vgt.s32 v9, $0xFFFFFFFF;
	v12 =	vsel vm1, v6, v5  }
0x1ad: {  	v16 =	vld [tilespmem:s28+$0xFFFFFFE0];
	v10 =	vadd.s32 v12, v10;
	v12 =	vsub.f32 v19, v59  }
0x1ae: {  	v14 =	vsub.f32 v20, v27;
	v20 =	vld [tilespmem:s29+$0xFFFFFFB0];
	vm1 =	vle.f32 v17, v28;
	vm15 =	vgt.s32 v10, $0x1DF  }
0x1af: {  	v19 =	vsel vm1, v6, v5;
	[tilespmem:v13+s20+$0x0] =	vst.idx.add.f32.msk vm3, v12;
	v12 =	vshll.u32 v24, $0x4  }
0x1b0: {  	v13 =	vsub.f32 v22, v29;
	[tilespmem:v18+s20+$0x0] =	vst.idx.add.f32.msk vm0, v14;
	v12 =	vadd.s32 v19, v12  }
0x1b1: {  	v14 =	vld [tilespmem:s26+$0x50];
	v22 =	vmul.f32 $1.500000000e+01, v21;
	vm0 =	vgt.s32 v12, $0x1DF  }
0x1b2: {  	vm1 =	vle.f32 v25, v15;
	[tilespmem:v9+s20+$0x0] =	vst.idx.add.f32.msk vm2, v13;
	v9 =	vsub.f32 v11, v16  }
0x1b3: {  	v11 =	vsel vm1, v6, v5;
	v13 =	vshll.u32 v23, $0x4;
	v16 =	vld [tilespmem:s26+$0x10];
	v18 =	vadd.f32 $8.388608000e+06, v22  }
0x1b4: {  	v19 =	vmul.f32 $1.500000000e+01, v20;
	[tilespmem:v10+s20+$0x0] =	vst.idx.add.f32.msk vm15, v9;
	v9 =	vadd.s32 v11, v13  }
0x1b5: {  	v15 =	vld [tilespmem:s26+$0xFFFFFFD0];
	v10 =	vsub.f32 v17, v30;
	v18 =	vadd.s32 $0xB5000000, v18;
	vm1 =	vgt.s32 v9, $0x1DF  }
0x1b6: {  	v11 =	vld [tilespmem:s29+$0xFFFFFFF0]  }
0x1b7: {  	v13 =	vadd.f32 $8.388608000e+06, v19;
	v17 =	vmul.f32 $1.500000000e+01, v14;
	[tilespmem:v12+s20+$0x0] =	vst.idx.add.f32.msk vm0, v10  }
0x1b8: {  	v12 =	vld [tilespmem:s29+$0x30]  }
0x1b9: {  	v61 =	vld [tilespmem:s28+$0xFFFFFFB0];
	v22 =	vadd.s32 $0xB5000000, v13;
	v13 =	vsub.f32 v25, v26;
	v10 =	vadd.f32 $8.388608000e+06, v17  }
0x1ba: {  	v19 =	vmul.f32 $1.500000000e+01, v16;
	v17 =	vld.idx.msk [tilespmem:v18+s5+$0x0], $0xffff  }
0x1bb: {  	v23 =	vadd.s32 $0xB5000000, v10;
	[tilespmem:v9+s20+$0x0] =	vst.idx.add.f32.msk vm1, v13  }
0x1bc: {  	v24 =	vmul.f32 $1.500000000e+01, v15;
	v19 =	vadd.f32 $8.388608000e+06, v19;
	v13 =	vmul.f32 $1.500000000e+01, v11;
	v9 =	vld [tilespmem:s29+$0x70]  }
0x1bd: {  	v31 =	vld [tilespmem:s28+$0x30];
	v26 =	vmul.f32 $1.500000000e+01, v12  }
0x1be: {  	v10 =	vld [tilespmem:s28+$0xFFFFFFF0];
	v24 =	vadd.f32 $8.388608000e+06, v24;
	v28 =	vadd.s32 $0xB5000000, v19;
	v13 =	vadd.f32 $8.388608000e+06, v13  }
0x1bf: {  	v18 =	vshll.u32 v18, $0x4;
	v25 =	vld.idx.msk [tilespmem:v22+s5+$0x0], $0xffff;
	vm0 =	vle.f32 v21, v17;
	v26 =	vadd.f32 $8.388608000e+06, v26  }
0x1c0: {  	v17 =	vadd.s32 $0xB5000000, v24;
	v24 =	vld.idx.msk [tilespmem:v23+s5+$0x0], $0xffff;
	v19 =	vadd.s32 $0xB5000000, v13;
	v27 =	vsel vm0, v4, v3  }
0x1c1: {  	v13 =	vld [tilespmem:s25+$0xFFFFFF90];
	v60 =	vadd.s32 v27, v18;
	v18 =	vadd.s32 $0xB5000000, v26;
	v26 =	vmul.f32 $1.500000000e+01, v9  }
0x1c2: {  	v29 =	vld [tilespmem:s28+$0x70];
	vm0 =	vgt.s32 v60, $0xEF  }
0x1c3: {  	v22 =	vshll.u32 v22, $0x4;
	v62 =	vld.idx.msk [tilespmem:v28+s5+$0x0], $0xffff;
	v26 =	vadd.f32 $8.388608000e+06, v26  }
0x1c4: {  	v30 =	vld [tilespmem:s25+$0x50];
	v10 =	vsub.f32 v11, v10;
	v23 =	vshll.u32 v23, $0x4;
	v28 =	vshll.u32 v28, $0x4  }
0x1c5: {  	vm1 =	vle.f32 v20, v25;
	v27 =	vshll.u32 v17, $0x4;
	v63 =	vld.idx.msk [tilespmem:v17+s5+$0x0], $0xffff;
	v36 =	vadd.s32 $0xB5000000, v26  }
0x1c6: {  	v17 =	vsel vm1, v8, v7;
	vm1 =	vle.f32 v14, v24;
	v24 =	vld.idx.msk [tilespmem:v19+s5+$0x0], $0xffff;
	v26 =	vsub.f32 v21, v13  }
0x1c7: {  	v21 =	vsel vm1, v4, v3;
	v13 =	vsub.f32 v9, v29;
	v22 =	vadd.s32 v17, v22;
	v25 =	vld.idx.msk [tilespmem:v18+s5+$0x0], $0xffff  }
0x1c8: {  	v17 =	vsub.f32 v12, v31;
	vm3 =	vle.f32 v16, v62;
	[tilespmem:v60+s20+$0x0] =	vst.idx.add.f32.msk vm0, v26;
	vm0 =	vgt.s32 v22, $0x2CF  }
0x1c9: {  	v29 =	vadd.s32 v21, v23;
	v21 =	vsub.f32 v20, v61;
	v31 =	vsel vm3, v4, v3;
	v20 =	vld [tilespmem:s26+$0xFFFFFFA0]  }
0x1ca: {  	s30 =	simm.s32 $0x10;
	s29 =	simm.s32 $0xC600;
	s28 =	simm.s32 $0x8600;
	v23 =	vshll.u32 v36, $0x4;
	vm1 =	vgt.s32 v29, $0xEF;
	vm2 =	vle.f32 v15, v63;
	v26 =	vld.idx.msk [tilespmem:v36+s5+$0x0], $0xffff  }
.LBB2_5:
0x1cb: {  	s30 =	sadd.s32 $0x10, s30;
	v32 =	vld [tilespmem:s25+$0xFFFFFFD0];
	v33 =	vsel vm2, v4, v3;
	vm3 =	vle.f32 v11, v24;
	v11 =	vshll.u32 v19, $0x4  }
0x1cc: {  	s26 =	sadd.s32 $0x100, s26;
	vm4 =	vle.f32 v12, v25;
	p1 =	slt.u32 s30, $0x3F0;
	v19 =	vadd.s32 v33, v27;
	v24 =	vld [tilespmem:s25+$0x10];
	v27 =	vadd.s32 v31, v28  }
0x1cd: {  	v25 =	vsel vm3, v8, v7;
	v12 =	vld [tilespmem:s26+$0xFFFFFF80];
	vm2 =	vgt.s32 v19, $0xEF;
	vm5 =	vgt.s32 v27, $0xEF  }
0x1ce: {  	v14 =	vsub.f32 v14, v30;
	v28 =	vmul.f32 $1.500000000e+01, v20;
	[tilespmem:v22+s20+$0x0] =	vst.idx.add.f32.msk vm0, v21;
	v21 =	vadd.s32 v25, v11  }
0x1cf: {  	v18 =	vshll.u32 v18, $0x4;
	v22 =	vsel vm4, v8, v7;
	v11 =	vld [tilespmem:s26+$0xFFFFFFC0];
	vm0 =	vgt.s32 v21, $0x2CF  }
0x1d0: {  	v25 =	vadd.f32 $8.388608000e+06, v28;
	v15 =	vsub.f32 v15, v32;
	[tilespmem:v29+s20+$0x0] =	vst.idx.add.f32.msk vm1, v14;
	v14 =	vadd.s32 v22, v18  }
0x1d1: {  	vm3 =	vle.f32 v9, v26;
	v18 =	vld [tilespmem:s26+$0x40];
	v16 =	vsub.f32 v16, v24;
	vm1 =	vgt.s32 v14, $0x2CF  }
0x1d2: {  	v9 =	vmul.f32 $1.500000000e+01, v12;
	v22 =	vld [tilespmem:s26+$0x0];
	v24 =	vadd.s32 $0xB5000000, v25;
	v25 =	vsel vm3, v8, v7  }
0x1d3: {  	[tilespmem:v27+s20+$0x0] =	vst.idx.add.f32.msk vm5, v16;
	v16 =	vadd.s32 v25, v23  }
0x1d4: {  	v9 =	vadd.f32 $8.388608000e+06, v9;
	[tilespmem:v19+s20+$0x0] =	vst.idx.add.f32.msk vm2, v15;
	vm2 =	vgt.s32 v16, $0x2CF  }
0x1d5: {  	[tilespmem:v21+s20+$0x0] =	vst.idx.add.f32.msk vm0, v10  }
0x1d6: {  	v9 =	vadd.s32 $0xB5000000, v9;
	v10 =	vld [tilespmem:s29+$0xFFFFFFE0]  }
0x1d7: {  	v15 =	vmul.f32 $1.500000000e+01, v18;
	v19 =	vld [tilespmem:s29+$0x20]  }
0x1d8: {  	v21 =	vmul.f32 $1.500000000e+01, v22;
	[tilespmem:v14+s20+$0x0] =	vst.idx.add.f32.msk vm1, v17  }
0x1d9: {  	v14 =	vmul.f32 $1.500000000e+01, v11;
	v15 =	vadd.f32 $8.388608000e+06, v15;
	v17 =	vld.idx.msk [tilespmem:v24+s5+$0x0], $0xffff  }
0x1da: {  	v21 =	vadd.f32 $8.388608000e+06, v21;
	[tilespmem:v16+s20+$0x0] =	vst.idx.add.f32.msk vm2, v13  }
0x1db: {  	v14 =	vadd.f32 $8.388608000e+06, v14;
	v15 =	vadd.s32 $0xB5000000, v15;
	v13 =	vld.idx.msk [tilespmem:v9+s5+$0x0], $0xffff;
	v16 =	vmul.f32 $1.500000000e+01, v10  }
0x1dc: {  	v21 =	vadd.s32 $0xB5000000, v21;
	v23 =	vmul.f32 $1.500000000e+01, v19;
	v25 =	vld [tilespmem:s29+$0x60]  }
0x1dd: {  	v14 =	vadd.s32 $0xB5000000, v14;
	v16 =	vadd.f32 $8.388608000e+06, v16;
	v26 =	vld [tilespmem:s25+$0x60]  }
0x1de: {  	s25 =	sadd.s32 $0x100, s25;
	v27 =	vld [tilespmem:s28+$0xFFFFFFA0];
	v23 =	vadd.f32 $8.388608000e+06, v23  }
0x1df: {  	vm0 =	vle.f32 v20, v17;
	v28 =	vld [tilespmem:s25+$0xFFFFFF80];
	v16 =	vadd.s32 $0xB5000000, v16  }
0x1e0: {  	v29 =	vsel vm0, v6, v5;
	v17 =	vld.idx.msk [tilespmem:v15+s5+$0x0], $0xffff;
	v23 =	vadd.s32 $0xB5000000, v23  }
0x1e1: {  	v24 =	vshll.u32 v24, $0x4;
	vm0 =	vle.f32 v12, v13;
	v13 =	vld.idx.msk [tilespmem:v21+s5+$0x0], $0xffff;
	v30 =	vmul.f32 $1.500000000e+01, v25  }
0x1e2: {  	v9 =	vshll.u32 v9, $0x4;
	v24 =	vadd.s32 v29, v24;
	v31 =	vsel vm0, v2, v0;
	v32 =	vld.idx.msk [tilespmem:v14+s5+$0x0], $0xffff  }
0x1e3: {  	vm0 =	vgt.s32 v24, $0x1DF;
	v9 =	vadd.s32 v31, v9;
	v29 =	vld [tilespmem:s25+$0xFFFFFFC0];
	v30 =	vadd.f32 $8.388608000e+06, v30  }
0x1e4: {  	vm1 =	vgt.s32 v9, $0xFFFFFFFF;
	v20 =	vsub.f32 v20, v27;
	v12 =	vsub.f32 v12, v28;
	v27 =	vld.idx.msk [tilespmem:v16+s5+$0x0], $0xffff  }
0x1e5: {  	v14 =	vshll.u32 v14, $0x4;
	v26 =	vsub.f32 v25, v26;
	v16 =	vshll.u32 v16, $0x4;
	v28 =	vld.idx.msk [tilespmem:v23+s5+$0x0], $0xffff  }
0x1e6: {  	v21 =	vshll.u32 v21, $0x4;
	vm2 =	vle.f32 v18, v17;
	v17 =	vadd.s32 $0xB5000000, v30;
	v31 =	vld [tilespmem:s25+$0x0]  }
0x1e7: {  	v15 =	vshll.u32 v15, $0x4;
	vm3 =	vle.f32 v22, v13;
	v13 =	vsel vm2, v2, v0;
	v30 =	vld [tilespmem:s28+$0x20]  }
0x1e8: {  	vm2 =	vle.f32 v11, v32;
	v32 =	vsel vm3, v2, v0;
	v13 =	vadd.s32 v13, v15;
	v33 =	vld [tilespmem:s25+$0x40]  }
0x1e9: {  	v15 =	vsel vm2, v2, v0;
	v21 =	vadd.s32 v32, v21;
	vm2 =	vgt.s32 v13, $0xFFFFFFFF;
	[tilespmem:v24+s20+$0x0] =	vst.idx.add.f32.msk vm0, v20  }
0x1ea: {  	vm0 =	vgt.s32 v21, $0xFFFFFFFF;
	[tilespmem:v9+s20+$0x0] =	vst.idx.add.f32.msk vm1, v12;
	v9 =	vadd.s32 v15, v14;
	vm1 =	vle.f32 v10, v27  }
0x1eb: {  	v20 =	vld [tilespmem:s26+$0xFFFFFF90];
	vm3 =	vgt.s32 v9, $0xFFFFFFFF;
	v12 =	vsel vm1, v6, v5;
	vm1 =	vle.f32 v19, v28  }
0x1ec: {  	v12 =	vadd.s32 v12, v16;
	v19 =	vsub.f32 v19, v30;
	v14 =	vsel vm1, v6, v5;
	v15 =	vld.idx.msk [tilespmem:v17+s5+$0x0], $0xffff  }
0x1ed: {  	v16 =	vsub.f32 v22, v31;
	v18 =	vsub.f32 v18, v33;
	v22 =	vld [tilespmem:s28+$0xFFFFFFE0];
	vm1 =	vgt.s32 v12, $0x1DF  }
0x1ee: {  	v11 =	vsub.f32 v11, v29;
	v31 =	vld [tilespmem:s29+$0xFFFFFFB0]  }
0x1ef: {  	[tilespmem:v13+s20+$0x0] =	vst.idx.add.f32.msk vm2, v18;
	v13 =	vshll.u32 v23, $0x4  }
0x1f0: {  	v18 =	vmul.f32 $1.500000000e+01, v20;
	[tilespmem:v21+s20+$0x0] =	vst.idx.add.f32.msk vm0, v16;
	v13 =	vadd.s32 v14, v13  }
0x1f1: {  	v14 =	vld [tilespmem:s26+$0x50];
	vm0 =	vgt.s32 v13, $0x1DF  }
0x1f2: {  	vm2 =	vle.f32 v25, v15;
	v16 =	vadd.f32 $8.388608000e+06, v18;
	[tilespmem:v9+s20+$0x0] =	vst.idx.add.f32.msk vm3, v11;
	v9 =	vsub.f32 v10, v22  }
0x1f3: {  	v17 =	vshll.u32 v17, $0x4;
	v11 =	vsel vm2, v6, v5;
	v15 =	vld [tilespmem:s26+$0xFFFFFFD0];
	v10 =	vmul.f32 $1.500000000e+01, v31  }
0x1f4: {  	v18 =	vadd.s32 $0xB5000000, v16;
	[tilespmem:v12+s20+$0x0] =	vst.idx.add.f32.msk vm1, v9;
	v9 =	vadd.s32 v11, v17  }
0x1f5: {  	v16 =	vld [tilespmem:s26+$0x10];
	v10 =	vadd.f32 $8.388608000e+06, v10;
	vm1 =	vgt.s32 v9, $0x1DF  }
0x1f6: {  	v12 =	vmul.f32 $1.500000000e+01, v14;
	v11 =	vld [tilespmem:s29+$0xFFFFFFF0]  }
0x1f7: {  	v17 =	vadd.s32 $0xB5000000, v10;
	[tilespmem:v13+s20+$0x0] =	vst.idx.add.f32.msk vm0, v19  }
0x1f8: {  	v10 =	vadd.f32 $8.388608000e+06, v12;
	v12 =	vld [tilespmem:s29+$0x30]  }
0x1f9: {  	v13 =	vld.idx.msk [tilespmem:v18+s5+$0x0], $0xffff  }
0x1fa: {  	v19 =	vmul.f32 $1.500000000e+01, v16;
	v21 =	vadd.s32 $0xB5000000, v10;
	v10 =	vld [tilespmem:s28+$0xFFFFFFF0]  }
0x1fb: {  	v22 =	vmul.f32 $1.500000000e+01, v15;
	v23 =	vmul.f32 $1.500000000e+01, v11;
	[tilespmem:v9+s20+$0x0] =	vst.idx.add.f32.msk vm1, v26  }
0x1fc: {  	v19 =	vadd.f32 $8.388608000e+06, v19;
	v9 =	vld [tilespmem:s29+$0x70];
	s29 =	smov.u32 s26  }
0x1fd: {  	v22 =	vadd.f32 $8.388608000e+06, v22;
	v24 =	vld.idx.msk [tilespmem:v17+s5+$0x0], $0xffff;
	v23 =	vadd.f32 $8.388608000e+06, v23;
	v25 =	vmul.f32 $1.500000000e+01, v12  }
0x1fe: {  	v26 =	vadd.s32 $0xB5000000, v19;
	v29 =	vld [tilespmem:s28+$0x70]  }
0x1ff: {  	vm0 =	vle.f32 v20, v13;
	v13 =	vadd.s32 $0xB5000000, v22;
	v22 =	vld.idx.msk [tilespmem:v21+s5+$0x0], $0xffff;
	v25 =	vadd.f32 $8.388608000e+06, v25  }
0x200: {  	v18 =	vshll.u32 v18, $0x4;
	v27 =	vsel vm0, v4, v3;
	v19 =	vadd.s32 $0xB5000000, v23;
	v23 =	vld [tilespmem:s28+$0x30]  }
0x201: {  	v32 =	vadd.s32 v27, v18;
	v30 =	vld [tilespmem:s25+$0xFFFFFF90];
	v18 =	vadd.s32 $0xB5000000, v25;
	v25 =	vmul.f32 $1.500000000e+01, v9  }
0x202: {  	v10 =	vsub.f32 v11, v10;
	v27 =	vshll.u32 v13, $0x4;
	vm0 =	vgt.s32 v32, $0xEF;
	v33 =	vld [tilespmem:s28+$0xFFFFFFB0];
	s28 =	smov.u32 s25  }
0x203: {  	v28 =	vshll.u32 v26, $0x4;
	vm1 =	vle.f32 v31, v24;
	v34 =	vld.idx.msk [tilespmem:v26+s5+$0x0], $0xffff;
	v25 =	vadd.f32 $8.388608000e+06, v25  }
0x204: {  	v35 =	vsel vm1, v8, v7;
	v26 =	vld.idx.msk [tilespmem:v13+s5+$0x0], $0xffff;
	v13 =	vsub.f32 v9, v29  }
0x205: {  	v17 =	vshll.u32 v17, $0x4;
	vm1 =	vle.f32 v14, v22;
	v24 =	vld.idx.msk [tilespmem:v19+s5+$0x0], $0xffff;
	v36 =	vadd.s32 $0xB5000000, v25  }
.Ltmp3:
0x206: {  	v21 =	vshll.u32 v21, $0x4;
	v22 =	vsel vm1, v4, v3;
	v20 =	vsub.f32 v20, v30;
	v25 =	vld.idx.msk [tilespmem:v18+s5+$0x0], $0xffff;
	(pc) =	sbr.rel @p1 .LBB2_5-.Ltmp3, $4  }
0x207: {  	v29 =	vadd.s32 v22, v21;
	v22 =	vadd.s32 v35, v17;
	v30 =	vld [tilespmem:s25+$0x50];
	v21 =	vsub.f32 v31, v33  }
0x208: {  	v17 =	vsub.f32 v12, v23;
	vm1 =	vgt.s32 v29, $0xEF;
	[tilespmem:v32+s20+$0x0] =	vst.idx.add.f32.msk vm0, v20;
	vm0 =	vgt.s32 v22, $0x2CF  }
0x209: {  	vm3 =	vle.f32 v16, v34;
	v20 =	vld [tilespmem:s26+$0xFFFFFFA0]  }
0x20a: {  	v23 =	vshll.u32 v36, $0x4;
	vm2 =	vle.f32 v15, v26;
	v31 =	vsel vm3, v4, v3;
	v26 =	vld.idx.msk [tilespmem:v36+s5+$0x0], $0xffff  }
0x20b: {  	v32 =	vsel vm2, v4, v3;
	v54 =	vld [tilespmem:s25+$0x10];
	v28 =	vadd.s32 v31, v28  }
0x20c: {  	v33 =	vld [tilespmem:s25+$0xFFFFFFD0];
	v27 =	vadd.s32 v32, v27;
	vm3 =	vgt.s32 v28, $0xEF  }
0x20d: {  	vm15 =	vgt.s32 v27, $0xEF  }
0x20e: {  	v14 =	vsub.f32 v14, v30;
	_ =	sdelay $0x1  }
0x20f: {  	[tilespmem:v29+s20+$0x0] =	vst.idx.add.f32.msk vm1, v14;
	v16 =	vsub.f32 v16, v54  }
0x210: {  	v14 =	vld [tilespmem:s29+$0x60];
	v15 =	vsub.f32 v15, v33  }
0x211: {  	[tilespmem:v28+s20+$0x0] =	vst.idx.add.f32.msk vm3, v16  }
0x212: {  	[tilespmem:v27+s20+$0x0] =	vst.idx.add.f32.msk vm15, v15  }
0x213: {  	v16 =	vld [tilespmem:s29+$0x20]  }
0x214: {  	v55 =	vmul.f32 $1.500000000e+01, v20;
	v15 =	vld [tilespmem:s29+$0xFFFFFFE0];
	_ =	sdelay $0x1  }
0x215: {  	v27 =	vadd.f32 $8.388608000e+06, v55;
	v58 =	vmul.f32 $1.500000000e+01, v14;
	_ =	sdelay $0x1  }
0x216: {  	v27 =	vadd.s32 $0xB5000000, v27;
	v30 =	vadd.f32 $8.388608000e+06, v58;
	v57 =	vmul.f32 $1.500000000e+01, v16  }
0x217: {  	v56 =	vmul.f32 $1.500000000e+01, v15  }
0x218: {  	v30 =	vadd.s32 $0xB5000000, v30;
	v29 =	vadd.f32 $8.388608000e+06, v57  }
0x219: {  	v28 =	vadd.f32 $8.388608000e+06, v56  }
0x21a: {  	v29 =	vadd.s32 $0xB5000000, v29  }
0x21b: {  	v59 =	vld.idx.msk [tilespmem:v27+s5+$0x0], $0xffff;
	v28 =	vadd.s32 $0xB5000000, v28;
	_ =	sdelay $0x1  }
0x21c: {  	v35 =	vld.idx.msk [tilespmem:v30+s5+$0x0], $0xffff;
	_ =	sdelay $0x1  }
0x21d: {  	v61 =	vld.idx.msk [tilespmem:v29+s5+$0x0], $0xffff  }
0x21e: {  	vm6 =	vle.f32 v20, v59;
	v60 =	vld.idx.msk [tilespmem:v28+s5+$0x0], $0xffff  }
0x21f: {  	v27 =	vshll.u32 v27, $0x4;
	v31 =	vsel vm6, v6, v5  }
0x220: {  	v34 =	vld [tilespmem:s28+$0xFFFFFFA0];
	v27 =	vadd.s32 v31, v27;
	vm11 =	vle.f32 v14, v35  }
0x221: {  	v30 =	vshll.u32 v30, $0x4;
	vm8 =	vgt.s32 v27, $0x1DF;
	v39 =	vsel vm11, v6, v5  }
0x222: {  	v40 =	vld [tilespmem:s25+$0x60];
	v29 =	vshll.u32 v29, $0x4;
	v30 =	vadd.s32 v39, v30;
	vm9 =	vle.f32 v16, v61  }
0x223: {  	vm12 =	vgt.s32 v30, $0x1DF;
	vm7 =	vle.f32 v15, v60;
	v36 =	vsel vm9, v6, v5  }
0x224: {  	v38 =	vld [tilespmem:s28+$0x20];
	v28 =	vshll.u32 v28, $0x4;
	v62 =	vsel vm7, v6, v5;
	v29 =	vadd.s32 v36, v29  }
0x225: {  	v37 =	vsub.f32 v20, v34;
	v63 =	vld [tilespmem:s28+$0xFFFFFFE0];
	v28 =	vadd.s32 v62, v28;
	vm4 =	vgt.s32 v29, $0x1DF  }
0x226: {  	vm10 =	vgt.s32 v28, $0x1DF  }
0x227: {  	v14 =	vsub.f32 v14, v40;
	[tilespmem:v27+s20+$0x0] =	vst.idx.add.f32.msk vm8, v37  }
0x228: {  	v20 =	vld [tilespmem:s29+$0xFFFFFFB0]  }
0x229: {  	v16 =	vsub.f32 v16, v38;
	[tilespmem:v30+s20+$0x0] =	vst.idx.add.f32.msk vm12, v14  }
0x22a: {  	v15 =	vsub.f32 v15, v63;
	v42 =	vld [tilespmem:s29+$0x70]  }
0x22b: {  	[tilespmem:v29+s20+$0x0] =	vst.idx.add.f32.msk vm4, v16  }
0x22c: {  	[tilespmem:v28+s20+$0x0] =	vst.idx.add.f32.msk vm10, v15  }
0x22d: {  	v16 =	vld [tilespmem:s29+$0x30]  }
0x22e: {  	v15 =	vld [tilespmem:s29+$0xFFFFFFF0]  }
0x22f: {  	v41 =	vmul.f32 $1.500000000e+01, v20;
	_ =	sdelay $0x1  }
0x230: {  	v14 =	vadd.f32 $8.388608000e+06, v41;
	v45 =	vmul.f32 $1.500000000e+01, v42  }
0x231: {  	v44 =	vmul.f32 $1.500000000e+01, v16  }
0x232: {  	v14 =	vadd.s32 $0xB5000000, v14;
	v30 =	vadd.f32 $8.388608000e+06, v45;
	v43 =	vmul.f32 $1.500000000e+01, v15  }
0x233: {  	v29 =	vadd.f32 $8.388608000e+06, v44  }
0x234: {  	v30 =	vadd.s32 $0xB5000000, v30;
	v28 =	vadd.f32 $8.388608000e+06, v43  }
0x235: {  	v29 =	vadd.s32 $0xB5000000, v29  }
0x236: {  	vm13 =	vle.f32 v11, v24;
	v28 =	vadd.s32 $0xB5000000, v28  }
0x237: {  	v11 =	vshll.u32 v19, $0x4;
	v47 =	vsel vm13, v8, v7;
	v46 =	vld.idx.msk [tilespmem:v14+s5+$0x0], $0xffff  }
0x238: {  	vm14 =	vle.f32 v12, v25;
	v18 =	vshll.u32 v18, $0x4;
	v11 =	vadd.s32 v47, v11  }
0x239: {  	v49 =	vsel vm14, v8, v7;
	vm15 =	vgt.s32 v11, $0x2CF;
	vm7 =	vle.f32 v9, v26;
	v51 =	vld.idx.msk [tilespmem:v30+s5+$0x0], $0xffff  }
0x23a: {  	v12 =	vadd.s32 v49, v18;
	v50 =	vsel vm7, v8, v7;
	v9 =	vld.idx.msk [tilespmem:v29+s5+$0x0], $0xffff  }
0x23b: {  	vm3 =	vgt.s32 v12, $0x2CF;
	v18 =	vadd.s32 v50, v23;
	v48 =	vld.idx.msk [tilespmem:v28+s5+$0x0], $0xffff  }
0x23c: {  	vm9 =	vgt.s32 v18, $0x2CF;
	v56 =	vshll.u32 v30, $0x4;
	vm8 =	vle.f32 v20, v46  }
0x23d: {  	[tilespmem:v22+s20+$0x0] =	vst.idx.add.f32.msk vm0, v21;
	v14 =	vshll.u32 v14, $0x4;
	v59 =	vshll.u32 v29, $0x4;
	v52 =	vsel vm8, v8, v7  }
0x23e: {  	v55 =	vld [tilespmem:s28+$0xFFFFFFB0];
	v53 =	vshll.u32 v28, $0x4;
	v14 =	vadd.s32 v52, v14;
	vm13 =	vle.f32 v42, v51  }
0x23f: {  	[tilespmem:v11+s20+$0x0] =	vst.idx.add.f32.msk vm15, v10;
	vm11 =	vgt.s32 v14, $0x2CF;
	v61 =	vsel vm13, v8, v7;
	vm12 =	vle.f32 v16, v9  }
0x240: {  	v62 =	vld [tilespmem:s28+$0x70];
	v23 =	vadd.s32 v61, v56;
	vm10 =	vle.f32 v15, v48;
	v58 =	vsel vm12, v8, v7  }
0x241: {  	v60 =	vld [tilespmem:s28+$0x30];
	vm15 =	vgt.s32 v23, $0x2CF;
	v54 =	vsel vm10, v8, v7;
	v21 =	vadd.s32 v58, v59  }
0x242: {  	v57 =	vld [tilespmem:s28+$0xFFFFFFF0];
	v9 =	vadd.s32 v54, v53;
	vm14 =	vgt.s32 v21, $0x2CF  }
0x243: {  	v10 =	vsub.f32 v20, v55;
	vm5 =	vgt.s32 v9, $0x2CF  }
0x244: {  	[tilespmem:v12+s20+$0x0] =	vst.idx.add.f32.msk vm3, v17  }
.Ltmp4:
0x245: {  	[tilespmem:v14+s20+$0x0] =	vst.idx.add.f32.msk vm11, v10;
	v10 =	vsub.f32 v42, v62;
	(pc) =	sbr.rel @p0 .LBB2_8-.Ltmp4, $4  }
0x246: {  	[tilespmem:v18+s20+$0x0] =	vst.idx.add.f32.msk vm9, v13;
	v63 =	vsub.f32 v16, v60  }
0x247: {  	v11 =	vsub.f32 v15, v57;
	[tilespmem:v23+s20+$0x0] =	vst.idx.add.f32.msk vm15, v10  }
0x248: {  	[tilespmem:v21+s20+$0x0] =	vst.idx.add.f32.msk vm14, v63  }
0x249: {  	[tilespmem:v9+s20+$0x0] =	vst.idx.add.f32.msk vm5, v11  }
0x24a: {  	s24 =	sadd.s32 s24, s11  }
.Ltmp5:
0x24b: {  	s24 =	sshrl.u32 s24, $0x3;
	(pc) =	sbr.rel .LBB2_2-.Ltmp5, $4  }
0x24c: {  	s25 =	sadd.s32 s1, s24  }
0x24d: {  	[tilespmem:s17], [sflag:$0x2] =	stream.linear.gather [hbm4b:s25+s5], $0x4000, $0x38;
	[tilespmem:$0x10480] =	vst v63  }
0x24e: {  	s23 =	sadd.s32 $0x1, s23;
	s24 =	sadd.s32 s2, s24  }
0x24f: {  	[tilespmem:s18], [sflag:$0x2] =	stream.linear.gather [hbm4b:s24+s5], $0x4000, $0x38;
	[tilespmem:$0x10480] =	vst v63  }
.LBB2_9:
0x250: {  	_ =	sfence.sel $0x180000  }
0x251: {  	[bflag:$0x0] =	sbarrier.arrive $0xFFFF  }
0x252: {  	p0 =	sne.s32 s0, $0x0;
	_ =	strace $0x90000047  }
0x253: {  	s0 =	sadd.s32 @!p0 $0x100000, s3;
	[bflag:$0x2] =	sbarrier.arrive $0xFFFF  }
0x254: {  	[sflag:s0] =	ssyncadd.tile.s32 @!p0 $0x1;
	_ =	shalt  }
.Lfunc_end2:
_tile_overlayer_lowered:
.L_overlay_start_2:
0x255: {  	(tag) =	ssettag $0x2  }
0x256: {  	s0 =	rddreg [dreg:$0x0];
	s2 =	stileid.u32  }
0x257: {  	s1 =	rddreg [dreg:$0x1];
	p0 =	sne.s32 s2, $0x0  }
0x258: {  	s3 =	rddreg [dreg:$0x2];
	[bflag:$0x3] =	sbarrier.arrive $0xFFFF;
	s2 =	simm.s32 @!p0 $0x1C03  }
0x259: {  	[timem:s3], [sflag:s2] =	dma.local @!p0 [hbm:s0], s1  }
0x25a: {  	s0 =	simm.s32 @!p0 $0x3  }
0x25b: {  	_ =	swait.ge @!p0 [sflag:s0], s1  }
0x25c: {  	s1 =	ssub.s32 @!p0 $0x0, s1;
	[sflag:s0] =	ssyncset.done @!p0 $0x0  }
0x25d: {  	[sflag:s0] =	ssyncadd.s32 @!p0 s1  }
0x25e: {  	[bflag:$0x3] =	sbarrier.arrive $0xFFFF  }
0x25f: {  	_ =	shalt  }

</sc_bundles>
